<compile_context>
chip_gen: v7x
topology: tpu7x:2x2x1
jax: 0.10.2.dev20260603
libtpu: 0.0.44.dev20260713+nightly
codegen_flags: <defaults>
</compile_context>

<pallas_src>
import jax
import jax.numpy as jnp
from jax import lax
from jax.experimental import pallas as pl
from jax.experimental.pallas import tpu as pltpu
from jax.experimental.pallas import tpu_sc as plsc

B = 1024
S = 200
H = 128
N = B * S
LANES = 16
NUM_WORKERS = 32
PER_W = N // NUM_WORKERS
CHUNK = 128
NCHUNK = PER_W // CHUNK
NSEG = 3
SP = NSEG * S
NBUF = 6


def _segpos_tc_body(seg_ref, pos_ref, out_ref):
    for g in range(NSEG):
        out_ref[g * S:(g + 1) * S, :] = pos_ref[...] + seg_ref[g:g + 1, :]


def _build_segpos(segment_table, pos_table):
    return pl.pallas_call(
        _segpos_tc_body,
        out_shape=jax.ShapeDtypeStruct((SP, H), jnp.float32),
    )(segment_table, pos_table[:S])


def _sc_body(ids_hbm, sids_hbm, tok_hbm, segpos_hbm, out_hbm,
             idx_all, spidx_all, segpos_sh,
             rows_0, rows_1, rows_2, rows_3, rows_4, rows_5,
             tsem_0, tsem_1, tsem_2, tsem_3, tsem_4, tsem_5,
             asem_0, asem_1, asem_2, asem_3, asem_4, asem_5,
             osem_0, osem_1, osem_2, osem_3, osem_4, osem_5):
    info = plsc.get_sparse_core_info()
    nc = info.num_cores
    wid = lax.axis_index("s") * nc + lax.axis_index("c")
    wbase = wid * PER_W
    iota = lax.iota(jnp.int32, LANES)

    rows = (rows_0, rows_1, rows_2, rows_3, rows_4, rows_5)
    tsem = (tsem_0, tsem_1, tsem_2, tsem_3, tsem_4, tsem_5)
    asem = (asem_0, asem_1, asem_2, asem_3, asem_4, asem_5)
    osem = (osem_0, osem_1, osem_2, osem_3, osem_4, osem_5)

    pltpu.sync_copy(ids_hbm.at[pl.ds(wbase, PER_W)], idx_all)
    pltpu.sync_copy(sids_hbm.at[pl.ds(wbase, PER_W)], spidx_all)

    def fire_tok(ch, s):
        pltpu.async_copy(tok_hbm.at[idx_all.at[pl.ds(ch * CHUNK, CHUNK)]],
                         rows[s], tsem[s])

    def wait_tok(s):
        pltpu.make_async_copy(tok_hbm.at[pl.ds(0, CHUNK)],
                              rows[s], tsem[s]).wait()

    def fire_spadd(ch, s):
        pltpu.async_copy(segpos_sh.at[spidx_all.at[pl.ds(ch * CHUNK, CHUNK)]],
                         rows[s], asem[s], add=True)

    def wait_spadd(s):
        pltpu.make_async_copy(segpos_hbm.at[pl.ds(0, CHUNK)],
                              rows[s], asem[s]).wait()

    def fire_out(ch, s):
        pltpu.async_copy(rows[s],
                         out_hbm.at[pl.ds(wbase + ch * CHUNK, CHUNK)],
                         osem[s])

    def wait_out(s):
        pltpu.make_async_copy(rows[s], out_hbm.at[pl.ds(0, CHUNK)],
                              osem[s]).wait()

    def steady(ch, s, sp, sf):
        wait_spadd(sp)
        fire_out(ch - 1, sp)
        wait_out(sf)
        fire_tok(ch + 4, sf)
        wait_tok(s)
        fire_spadd(ch, s)

    for c in range(4):
        fire_tok(c, c)
    pltpu.sync_copy(segpos_hbm, segpos_sh)

    def spidx_body(i, _):
        sv = spidx_all[pl.ds(i * LANES, LANES)]
        pv = lax.rem(wbase + i * LANES + iota, S)
        spidx_all[pl.ds(i * LANES, LANES)] = sv * S + pv
        return 0

    lax.fori_loop(0, PER_W // LANES, spidx_body, 0, unroll=4)

    wait_tok(0)
    fire_spadd(0, 0)
    fire_tok(4, 4)
    wait_spadd(0)
    fire_out(0, 0)
    wait_tok(1)
    fire_spadd(1, 1)
    fire_tok(5, 5)

    def six_body(c6, _):
        ch = 6 * c6 + 2
        for d in range(6):
            steady(ch + d, (2 + d) % NBUF, (1 + d) % NBUF, d % NBUF)
        return 0

    lax.fori_loop(0, 7, six_body, 0)

    steady(44, 44 % NBUF, 43 % NBUF, 48 % NBUF)
    steady(45, 45 % NBUF, 44 % NBUF, 49 % NBUF)

    for ch in (46, 47, 48, 49):
        wait_spadd((ch - 1) % NBUF)
        fire_out(ch - 1, (ch - 1) % NBUF)
        wait_tok(ch % NBUF)
        fire_spadd(ch, ch % NBUF)
    wait_spadd(49 % NBUF)
    fire_out(49, 49 % NBUF)
    for sl in (44, 45, 46, 47, 48, 49):
        wait_out(sl % NBUF)


@jax.jit
def kernel(input_ids, segment_ids, token_table, segment_table, pos_table):
    segpos = _build_segpos(segment_table, pos_table)
    mesh = plsc.VectorSubcoreMesh(core_axis_name="c", subcore_axis_name="s")
    kfn = pl.kernel(
        _sc_body,
        out_type=jax.ShapeDtypeStruct((N, H), jnp.float32),
        mesh=mesh,
        scratch_types=[
            pltpu.VMEM((PER_W,), jnp.int32),
            pltpu.VMEM((PER_W,), jnp.int32),
            pltpu.VMEM_SHARED((SP, H), jnp.float32),
        ] + [pltpu.VMEM((CHUNK, H), jnp.float32) for _ in range(NBUF)]
          + [pltpu.SemaphoreType.DMA for _ in range(3 * NBUF)],
    )
    out = kfn(input_ids.reshape(N).astype(jnp.int32),
              segment_ids.reshape(N).astype(jnp.int32),
              token_table, segpos)
    return out.reshape(B, S, H)

# --- scband reference (transcript-rebuilt; emitter-appended) ---
"""Pipeline reference for scband-embeddings-17051020165408 (READ-ONLY COPY).

The authoritative reference and input builder live on the scoring server;
editing this copy changes nothing except your own understanding.
"""

import jax, jax.numpy as jnp
import numpy as np

VOCAB = 100000
HIDDEN = 128
SEQ = 200
BATCH = 1024
MAX_POS = 512

def setup_inputs(seed: int = 0) -> dict:
    key = jax.random.key(seed)
    k1, k2, k3, k4, k5 = jax.random.split(key, 5)
    input_ids = jax.random.randint(k1, (BATCH, SEQ), 0, VOCAB, dtype=jnp.int64 if jax.config.jax_enable_x64 else jnp.int32)
    segment_ids = jax.random.randint(k2, (BATCH, SEQ), 0, 3, dtype=jnp.int64 if jax.config.jax_enable_x64 else jnp.int32)
    token_table = jax.random.normal(k3, (VOCAB, HIDDEN), dtype=jnp.float32) * 0.02
    segment_table = jax.random.normal(k4, (3, HIDDEN), dtype=jnp.float32) * 0.02
    pos_table = jax.random.normal(k5, (MAX_POS, HIDDEN), dtype=jnp.float32) * 0.02
    return {"input_ids": input_ids, "segment_ids": segment_ids, "token_table": token_table, "segment_table": segment_table, "pos_table": pos_table}

def reference(input_ids, segment_ids, token_table, segment_table, pos_table):
    # PositionalEmbeddings: learned positional table indexed by position, broadcast over batch
    seq_len = input_ids.shape[1]
    positions = jnp.arange(seq_len)
    pos_info = jnp.take(pos_table, positions, axis=0)[None, :, :]  # [1, S, H]
    seg_info = jnp.take(segment_table, segment_ids, axis=0)         # [B, S, H]
    x = jnp.take(token_table, input_ids, axis=0)                    # [B, S, H]
    x = x + pos_info + seg_info
    # training=False -> no dropout
    return x

if __name__ == "__main__":
    import jax
    _d = setup_inputs()
    print(jax.jit(kernel)(*tuple(_d.values())))

</pallas_src>

<mosaic_0001>
#map = affine_map<(d0, d1) -> (0)>
#map1 = affine_map<(d0, d1) -> (0, 0)>
module attributes {stable_mosaic.version = 14 : i64} {
  func.func @_sc_body(%arg0: i32, %arg1: i32, %arg2: memref<204800xi32, #tpu.memory_space<hbm>>, %arg3: memref<204800xi32, #tpu.memory_space<hbm>>, %arg4: memref<100000x128xf32, #tpu.memory_space<hbm>>, %arg5: memref<600x128xf32, #tpu.memory_space<hbm>>, %arg6: memref<204800x128xf32, #tpu.memory_space<hbm>>, %arg7: memref<6400xi32, #tpu.memory_space<vmem>>, %arg8: memref<6400xi32, #tpu.memory_space<vmem>>, %arg9: memref<600x128xf32, #tpu.memory_space<vmem_shared>>, %arg10: memref<128x128xf32, #tpu.memory_space<vmem>>, %arg11: memref<128x128xf32, #tpu.memory_space<vmem>>, %arg12: memref<128x128xf32, #tpu.memory_space<vmem>>, %arg13: memref<128x128xf32, #tpu.memory_space<vmem>>, %arg14: memref<128x128xf32, #tpu.memory_space<vmem>>, %arg15: memref<128x128xf32, #tpu.memory_space<vmem>>, %arg16: memref<!tpu.dma_semaphore, #tpu.memory_space<semaphore_mem>>, %arg17: memref<!tpu.dma_semaphore, #tpu.memory_space<semaphore_mem>>, %arg18: memref<!tpu.dma_semaphore, #tpu.memory_space<semaphore_mem>>, %arg19: memref<!tpu.dma_semaphore, #tpu.memory_space<semaphore_mem>>, %arg20: memref<!tpu.dma_semaphore, #tpu.memory_space<semaphore_mem>>, %arg21: memref<!tpu.dma_semaphore, #tpu.memory_space<semaphore_mem>>, %arg22: memref<!tpu.dma_semaphore, #tpu.memory_space<semaphore_mem>>, %arg23: memref<!tpu.dma_semaphore, #tpu.memory_space<semaphore_mem>>, %arg24: memref<!tpu.dma_semaphore, #tpu.memory_space<semaphore_mem>>, %arg25: memref<!tpu.dma_semaphore, #tpu.memory_space<semaphore_mem>>, %arg26: memref<!tpu.dma_semaphore, #tpu.memory_space<semaphore_mem>>, %arg27: memref<!tpu.dma_semaphore, #tpu.memory_space<semaphore_mem>>, %arg28: memref<!tpu.dma_semaphore, #tpu.memory_space<semaphore_mem>>, %arg29: memref<!tpu.dma_semaphore, #tpu.memory_space<semaphore_mem>>, %arg30: memref<!tpu.dma_semaphore, #tpu.memory_space<semaphore_mem>>, %arg31: memref<!tpu.dma_semaphore, #tpu.memory_space<semaphore_mem>>, %arg32: memref<!tpu.dma_semaphore, #tpu.memory_space<semaphore_mem>>, %arg33: memref<!tpu.dma_semaphore, #tpu.memory_space<semaphore_mem>>) attributes {dimension_semantics = [#tpu.dimension_semantics<core_parallel>, #tpu.dimension_semantics<subcore_parallel>], iteration_bounds = array<i64: 2, 16>, scalar_prefetch = 0 : i64, scratch_operands = 27 : i64, tpu.core_type = #tpu.core_type<sc_vector_subcore>, window_params = [{transform_indices = #map}, {transform_indices = #map}, {transform_indices = #map1}, {transform_indices = #map1}, {transform_indices = #map1}]} {
    %mul3A = arith.constant 2 : i32
    %mul3A_0 = arith.muli %arg1, %mul3A : i32
    %add3A = arith.addi %mul3A_0, %arg0 : i32
    %mul3A_1 = arith.constant 6400 : i32
    %mul3A_2 = arith.muli %add3A, %mul3A_1 : i32
    %iota3A = tpu.iota {dimensions = array<i32: 0>} : vector<16xi32>
    "tpu.region"() ({
      %run_scoped3A = tpu.sem_alloc : memref<!tpu.dma_semaphore, #tpu.memory_space<semaphore_mem>>
      %dma_start3A_286 = tpu.memref_slice %arg2[%mul3A_2] : memref<204800xi32, #tpu.memory_space<hbm>> -> memref<6400xi32, #tpu.memory_space<hbm>>
      %dma_start3A_287 = tpu.memref_slice %arg2[%mul3A_2] : memref<204800xi32, #tpu.memory_space<hbm>> -> memref<6400xi32, #tpu.memory_space<hbm>>
      tpu.enqueue_dma source(%dma_start3A_287 : memref<6400xi32, #tpu.memory_space<hbm>>) target(%arg7 : memref<6400xi32, #tpu.memory_space<vmem>>) target_semaphore(%run_scoped3A : memref<!tpu.dma_semaphore, #tpu.memory_space<semaphore_mem>>)
      %dma_wait3A_288 = tpu.memref_slice %arg2[%mul3A_2] : memref<204800xi32, #tpu.memory_space<hbm>> -> memref<6400xi32, #tpu.memory_space<hbm>>
      %dma_wait3A_289 = tpu.memref_slice %arg2[%mul3A_2] : memref<204800xi32, #tpu.memory_space<hbm>> -> memref<6400xi32, #tpu.memory_space<hbm>>
      tpu.wait_dma2 semaphore(%run_scoped3A : memref<!tpu.dma_semaphore, #tpu.memory_space<semaphore_mem>>) src(%dma_wait3A_289 : memref<6400xi32, #tpu.memory_space<hbm>>) dst(%arg7 : memref<6400xi32, #tpu.memory_space<vmem>>)
      tpu.yield
    }) : () -> ()
    "tpu.region"() ({
      %run_scoped3A = tpu.sem_alloc : memref<!tpu.dma_semaphore, #tpu.memory_space<semaphore_mem>>
      %dma_start3A_286 = tpu.memref_slice %arg3[%mul3A_2] : memref<204800xi32, #tpu.memory_space<hbm>> -> memref<6400xi32, #tpu.memory_space<hbm>>
      %dma_start3A_287 = tpu.memref_slice %arg3[%mul3A_2] : memref<204800xi32, #tpu.memory_space<hbm>> -> memref<6400xi32, #tpu.memory_space<hbm>>
      tpu.enqueue_dma source(%dma_start3A_287 : memref<6400xi32, #tpu.memory_space<hbm>>) target(%arg8 : memref<6400xi32, #tpu.memory_space<vmem>>) target_semaphore(%run_scoped3A : memref<!tpu.dma_semaphore, #tpu.memory_space<semaphore_mem>>)
      %dma_wait3A_288 = tpu.memref_slice %arg3[%mul3A_2] : memref<204800xi32, #tpu.memory_space<hbm>> -> memref<6400xi32, #tpu.memory_space<hbm>>
      %dma_wait3A_289 = tpu.memref_slice %arg3[%mul3A_2] : memref<204800xi32, #tpu.memory_space<hbm>> -> memref<6400xi32, #tpu.memory_space<hbm>>
      tpu.wait_dma2 semaphore(%run_scoped3A : memref<!tpu.dma_semaphore, #tpu.memory_space<semaphore_mem>>) src(%dma_wait3A_289 : memref<6400xi32, #tpu.memory_space<hbm>>) dst(%arg8 : memref<6400xi32, #tpu.memory_space<vmem>>)
      tpu.yield
    }) : () -> ()
    %dma_start3A = arith.constant 0 : i32
    %dma_start3A_3 = tpu.memref_slice %arg7[%dma_start3A] : memref<6400xi32, #tpu.memory_space<vmem>> -> memref<128xi32, #tpu.memory_space<vmem>>
    %dma_start3A_4 = arith.constant 0 : i32
    %dma_start3A_5 = arith.constant 0 : i32
    %dma_start3A_6 = tpu.memref_slice %arg4[%dma_start3A_4, %dma_start3A_5] : memref<100000x128xf32, #tpu.memory_space<hbm>> -> memref<100000x128xf32, #tpu.memory_space<hbm>>
    tpu.enqueue_indirect_dma source(%dma_start3A_6 : memref<100000x128xf32, #tpu.memory_space<hbm>>) target(%arg10 : memref<128x128xf32, #tpu.memory_space<vmem>>) offsets(%dma_start3A_3 : memref<128xi32, #tpu.memory_space<vmem>>) semaphore(%arg16 : memref<!tpu.dma_semaphore, #tpu.memory_space<semaphore_mem>>)
    %dma_start3A_7 = arith.constant 128 : i32
    %dma_start3A_8 = tpu.memref_slice %arg7[%dma_start3A_7] : memref<6400xi32, #tpu.memory_space<vmem>> -> memref<128xi32, #tpu.memory_space<vmem>>
    %dma_start3A_9 = arith.constant 0 : i32
    %dma_start3A_10 = arith.constant 0 : i32
    %dma_start3A_11 = tpu.memref_slice %arg4[%dma_start3A_9, %dma_start3A_10] : memref<100000x128xf32, #tpu.memory_space<hbm>> -> memref<100000x128xf32, #tpu.memory_space<hbm>>
    tpu.enqueue_indirect_dma source(%dma_start3A_11 : memref<100000x128xf32, #tpu.memory_space<hbm>>) target(%arg11 : memref<128x128xf32, #tpu.memory_space<vmem>>) offsets(%dma_start3A_8 : memref<128xi32, #tpu.memory_space<vmem>>) semaphore(%arg17 : memref<!tpu.dma_semaphore, #tpu.memory_space<semaphore_mem>>)
    %dma_start3A_12 = arith.constant 256 : i32
    %dma_start3A_13 = tpu.memref_slice %arg7[%dma_start3A_12] : memref<6400xi32, #tpu.memory_space<vmem>> -> memref<128xi32, #tpu.memory_space<vmem>>
    %dma_start3A_14 = arith.constant 0 : i32
    %dma_start3A_15 = arith.constant 0 : i32
    %dma_start3A_16 = tpu.memref_slice %arg4[%dma_start3A_14, %dma_start3A_15] : memref<100000x128xf32, #tpu.memory_space<hbm>> -> memref<100000x128xf32, #tpu.memory_space<hbm>>
    tpu.enqueue_indirect_dma source(%dma_start3A_16 : memref<100000x128xf32, #tpu.memory_space<hbm>>) target(%arg12 : memref<128x128xf32, #tpu.memory_space<vmem>>) offsets(%dma_start3A_13 : memref<128xi32, #tpu.memory_space<vmem>>) semaphore(%arg18 : memref<!tpu.dma_semaphore, #tpu.memory_space<semaphore_mem>>)
    %dma_start3A_17 = arith.constant 384 : i32
    %dma_start3A_18 = tpu.memref_slice %arg7[%dma_start3A_17] : memref<6400xi32, #tpu.memory_space<vmem>> -> memref<128xi32, #tpu.memory_space<vmem>>
    %dma_start3A_19 = arith.constant 0 : i32
    %dma_start3A_20 = arith.constant 0 : i32
    %dma_start3A_21 = tpu.memref_slice %arg4[%dma_start3A_19, %dma_start3A_20] : memref<100000x128xf32, #tpu.memory_space<hbm>> -> memref<100000x128xf32, #tpu.memory_space<hbm>>
    tpu.enqueue_indirect_dma source(%dma_start3A_21 : memref<100000x128xf32, #tpu.memory_space<hbm>>) target(%arg13 : memref<128x128xf32, #tpu.memory_space<vmem>>) offsets(%dma_start3A_18 : memref<128xi32, #tpu.memory_space<vmem>>) semaphore(%arg19 : memref<!tpu.dma_semaphore, #tpu.memory_space<semaphore_mem>>)
    "tpu.region"() ({
      %run_scoped3A = tpu.sem_alloc : memref<!tpu.dma_semaphore, #tpu.memory_space<semaphore_mem>>
      tpu.enqueue_dma source(%arg5 : memref<600x128xf32, #tpu.memory_space<hbm>>) target(%arg9 : memref<600x128xf32, #tpu.memory_space<vmem_shared>>) target_semaphore(%run_scoped3A : memref<!tpu.dma_semaphore, #tpu.memory_space<semaphore_mem>>)
      tpu.wait_dma2 semaphore(%run_scoped3A : memref<!tpu.dma_semaphore, #tpu.memory_space<semaphore_mem>>) src(%arg5 : memref<600x128xf32, #tpu.memory_space<hbm>>) dst(%arg9 : memref<600x128xf32, #tpu.memory_space<vmem_shared>>)
      tpu.yield
    }) : () -> ()
    %scan3A = arith.constant 0 : i32
    %scan3A_22 = arith.constant 0 : i32
    %scan3A_23 = arith.constant 400 : i32
    %scan3A_24 = arith.addi %scan3A_22, %scan3A_23 : i32
    %scan3A_25 = arith.constant 4 : i32
    %scan3A_26 = scf.for %scan3A_286 = %scan3A_22 to %scan3A_24 step %scan3A_25 iter_args(%scan3A_287 = %scan3A) -> (i32)  : i32 {
      %mul3A_288 = arith.constant 16 : i32
      %mul3A_289 = arith.muli %scan3A_286, %mul3A_288 : i32
      %get3A = arith.index_cast %mul3A_289 : i32 to index
      %get3A_290 = tpu.vector_load %arg8[%get3A] {strides = array<i32>} : memref<6400xi32, #tpu.memory_space<vmem>>, vector<16xi32>,
      %get3A_291 = vector.shape_cast %get3A_290 : vector<16xi32> to vector<16xi32>
      %mul3A_292 = arith.constant 16 : i32
      %mul3A_293 = arith.muli %scan3A_286, %mul3A_292 : i32
      %add3A_294 = arith.addi %mul3A_2, %mul3A_293 : i32
      %add3A_295 = vector.broadcast %add3A_294 : i32 to vector<16xi32>
      %add3A_296 = arith.addi %add3A_295, %iota3A : vector<16xi32>
      %rem3A = arith.constant 200 : i32
      %rem3A_297 = vector.broadcast %rem3A : i32 to vector<16xi32>
      %rem3A_298 = arith.remsi %add3A_296, %rem3A_297 : vector<16xi32>
      %mul3A_299 = arith.constant 200 : i32
      %mul3A_300 = vector.broadcast %mul3A_299 : i32 to vector<16xi32>
      %mul3A_301 = arith.muli %get3A_291, %mul3A_300 : vector<16xi32>
      %add3A_302 = arith.addi %mul3A_301, %rem3A_298 : vector<16xi32>
      %mul3A_303 = arith.constant 16 : i32
      %mul3A_304 = arith.muli %scan3A_286, %mul3A_303 : i32
      %swap3A = arith.index_cast %mul3A_304 : i32 to index
      %swap3A_305 = tpu.vector_load %arg8[%swap3A] {strides = array<i32>} : memref<6400xi32, #tpu.memory_space<vmem>>, vector<16xi32>,
      %swap3A_306 = vector.shape_cast %swap3A_305 : vector<16xi32> to vector<16xi32>
      %swap3A_307 = vector.shape_cast %add3A_302 : vector<16xi32> to vector<16xi32>
      tpu.vector_store %arg8[%swap3A], %swap3A_307 {strides = array<i32>} : memref<6400xi32, #tpu.memory_space<vmem>>, vector<16xi32>,
      %scan3A_308 = arith.constant 0 : i32
      %scan3A_309 = arith.constant 1 : i32
      %scan3A_310 = arith.addi %scan3A_286, %scan3A_309 : i32
      %mul3A_311 = arith.constant 16 : i32
      %mul3A_312 = arith.muli %scan3A_310, %mul3A_311 : i32
      %get3A_313 = arith.index_cast %mul3A_312 : i32 to index
      %get3A_314 = tpu.vector_load %arg8[%get3A_313] {strides = array<i32>} : memref<6400xi32, #tpu.memory_space<vmem>>, vector<16xi32>,
      %get3A_315 = vector.shape_cast %get3A_314 : vector<16xi32> to vector<16xi32>
      %mul3A_316 = arith.constant 16 : i32
      %mul3A_317 = arith.muli %scan3A_310, %mul3A_316 : i32
      %add3A_318 = arith.addi %mul3A_2, %mul3A_317 : i32
      %add3A_319 = vector.broadcast %add3A_318 : i32 to vector<16xi32>
      %add3A_320 = arith.addi %add3A_319, %iota3A : vector<16xi32>
      %rem3A_321 = arith.constant 200 : i32
      %rem3A_322 = vector.broadcast %rem3A_321 : i32 to vector<16xi32>
      %rem3A_323 = arith.remsi %add3A_320, %rem3A_322 : vector<16xi32>
      %mul3A_324 = arith.constant 200 : i32
      %mul3A_325 = vector.broadcast %mul3A_324 : i32 to vector<16xi32>
      %mul3A_326 = arith.muli %get3A_315, %mul3A_325 : vector<16xi32>
      %add3A_327 = arith.addi %mul3A_326, %rem3A_323 : vector<16xi32>
      %mul3A_328 = arith.constant 16 : i32
      %mul3A_329 = arith.muli %scan3A_310, %mul3A_328 : i32
      %swap3A_330 = arith.index_cast %mul3A_329 : i32 to index
      %swap3A_331 = tpu.vector_load %arg8[%swap3A_330] {strides = array<i32>} : memref<6400xi32, #tpu.memory_space<vmem>>, vector<16xi32>,
      %swap3A_332 = vector.shape_cast %swap3A_331 : vector<16xi32> to vector<16xi32>
      %swap3A_333 = vector.shape_cast %add3A_327 : vector<16xi32> to vector<16xi32>
      tpu.vector_store %arg8[%swap3A_330], %swap3A_333 {strides = array<i32>} : memref<6400xi32, #tpu.memory_space<vmem>>, vector<16xi32>,
      %scan3A_334 = arith.constant 0 : i32
      %scan3A_335 = arith.constant 2 : i32
      %scan3A_336 = arith.addi %scan3A_286, %scan3A_335 : i32
      %mul3A_337 = arith.constant 16 : i32
      %mul3A_338 = arith.muli %scan3A_336, %mul3A_337 : i32
      %get3A_339 = arith.index_cast %mul3A_338 : i32 to index
      %get3A_340 = tpu.vector_load %arg8[%get3A_339] {strides = array<i32>} : memref<6400xi32, #tpu.memory_space<vmem>>, vector<16xi32>,
      %get3A_341 = vector.shape_cast %get3A_340 : vector<16xi32> to vector<16xi32>
      %mul3A_342 = arith.constant 16 : i32
      %mul3A_343 = arith.muli %scan3A_336, %mul3A_342 : i32
      %add3A_344 = arith.addi %mul3A_2, %mul3A_343 : i32
      %add3A_345 = vector.broadcast %add3A_344 : i32 to vector<16xi32>
      %add3A_346 = arith.addi %add3A_345, %iota3A : vector<16xi32>
      %rem3A_347 = arith.constant 200 : i32
      %rem3A_348 = vector.broadcast %rem3A_347 : i32 to vector<16xi32>
      %rem3A_349 = arith.remsi %add3A_346, %rem3A_348 : vector<16xi32>
      %mul3A_350 = arith.constant 200 : i32
      %mul3A_351 = vector.broadcast %mul3A_350 : i32 to vector<16xi32>
      %mul3A_352 = arith.muli %get3A_341, %mul3A_351 : vector<16xi32>
      %add3A_353 = arith.addi %mul3A_352, %rem3A_349 : vector<16xi32>
      %mul3A_354 = arith.constant 16 : i32
      %mul3A_355 = arith.muli %scan3A_336, %mul3A_354 : i32
      %swap3A_356 = arith.index_cast %mul3A_355 : i32 to index
      %swap3A_357 = tpu.vector_load %arg8[%swap3A_356] {strides = array<i32>} : memref<6400xi32, #tpu.memory_space<vmem>>, vector<16xi32>,
      %swap3A_358 = vector.shape_cast %swap3A_357 : vector<16xi32> to vector<16xi32>
      %swap3A_359 = vector.shape_cast %add3A_353 : vector<16xi32> to vector<16xi32>
      tpu.vector_store %arg8[%swap3A_356], %swap3A_359 {strides = array<i32>} : memref<6400xi32, #tpu.memory_space<vmem>>, vector<16xi32>,
      %scan3A_360 = arith.constant 0 : i32
      %scan3A_361 = arith.constant 3 : i32
      %scan3A_362 = arith.addi %scan3A_286, %scan3A_361 : i32
      %mul3A_363 = arith.constant 16 : i32
      %mul3A_364 = arith.muli %scan3A_362, %mul3A_363 : i32
      %get3A_365 = arith.index_cast %mul3A_364 : i32 to index
      %get3A_366 = tpu.vector_load %arg8[%get3A_365] {strides = array<i32>} : memref<6400xi32, #tpu.memory_space<vmem>>, vector<16xi32>,
      %get3A_367 = vector.shape_cast %get3A_366 : vector<16xi32> to vector<16xi32>
      %mul3A_368 = arith.constant 16 : i32
      %mul3A_369 = arith.muli %scan3A_362, %mul3A_368 : i32
      %add3A_370 = arith.addi %mul3A_2, %mul3A_369 : i32
      %add3A_371 = vector.broadcast %add3A_370 : i32 to vector<16xi32>
      %add3A_372 = arith.addi %add3A_371, %iota3A : vector<16xi32>
      %rem3A_373 = arith.constant 200 : i32
      %rem3A_374 = vector.broadcast %rem3A_373 : i32 to vector<16xi32>
      %rem3A_375 = arith.remsi %add3A_372, %rem3A_374 : vector<16xi32>
      %mul3A_376 = arith.constant 200 : i32
      %mul3A_377 = vector.broadcast %mul3A_376 : i32 to vector<16xi32>
      %mul3A_378 = arith.muli %get3A_367, %mul3A_377 : vector<16xi32>
      %add3A_379 = arith.addi %mul3A_378, %rem3A_375 : vector<16xi32>
      %mul3A_380 = arith.constant 16 : i32
      %mul3A_381 = arith.muli %scan3A_362, %mul3A_380 : i32
      %swap3A_382 = arith.index_cast %mul3A_381 : i32 to index
      %swap3A_383 = tpu.vector_load %arg8[%swap3A_382] {strides = array<i32>} : memref<6400xi32, #tpu.memory_space<vmem>>, vector<16xi32>,
      %swap3A_384 = vector.shape_cast %swap3A_383 : vector<16xi32> to vector<16xi32>
      %swap3A_385 = vector.shape_cast %add3A_379 : vector<16xi32> to vector<16xi32>
      tpu.vector_store %arg8[%swap3A_382], %swap3A_385 {strides = array<i32>} : memref<6400xi32, #tpu.memory_space<vmem>>, vector<16xi32>,
      %scan3A_386 = arith.constant 0 : i32
      scf.yield %scan3A_386 : i32
    }
    %scan3A_27 = arith.constant 400 : i32
    %dma_wait3A = arith.constant 0 : i32
    %dma_wait3A_28 = arith.constant 0 : i32
    %dma_wait3A_29 = tpu.memref_slice %arg4[%dma_wait3A, %dma_wait3A_28] : memref<100000x128xf32, #tpu.memory_space<hbm>> -> memref<128x128xf32, #tpu.memory_space<hbm>>
    %dma_wait3A_30 = arith.constant 0 : i32
    %dma_wait3A_31 = arith.constant 0 : i32
    %dma_wait3A_32 = tpu.memref_slice %arg4[%dma_wait3A_30, %dma_wait3A_31] : memref<100000x128xf32, #tpu.memory_space<hbm>> -> memref<128x128xf32, #tpu.memory_space<hbm>>
    tpu.wait_dma2 semaphore(%arg16 : memref<!tpu.dma_semaphore, #tpu.memory_space<semaphore_mem>>) src(%dma_wait3A_32 : memref<128x128xf32, #tpu.memory_space<hbm>>) dst(%arg10 : memref<128x128xf32, #tpu.memory_space<vmem>>)
    %dma_start3A_33 = arith.constant 0 : i32
    %dma_start3A_34 = tpu.memref_slice %arg8[%dma_start3A_33] : memref<6400xi32, #tpu.memory_space<vmem>> -> memref<128xi32, #tpu.memory_space<vmem>>
    %dma_start3A_35 = arith.constant 0 : i32
    %dma_start3A_36 = arith.constant 0 : i32
    %dma_start3A_37 = tpu.memref_slice %arg9[%dma_start3A_35, %dma_start3A_36] : memref<600x128xf32, #tpu.memory_space<vmem_shared>> -> memref<600x128xf32, #tpu.memory_space<vmem_shared>>
    tpu.enqueue_indirect_dma source(%dma_start3A_37 : memref<600x128xf32, #tpu.memory_space<vmem_shared>>) target(%arg10 : memref<128x128xf32, #tpu.memory_space<vmem>>) offsets(%dma_start3A_34 : memref<128xi32, #tpu.memory_space<vmem>>) semaphore(%arg22 : memref<!tpu.dma_semaphore, #tpu.memory_space<semaphore_mem>>) {add = true}
    %dma_start3A_38 = arith.constant 512 : i32
    %dma_start3A_39 = tpu.memref_slice %arg7[%dma_start3A_38] : memref<6400xi32, #tpu.memory_space<vmem>> -> memref<128xi32, #tpu.memory_space<vmem>>
    %dma_start3A_40 = arith.constant 0 : i32
    %dma_start3A_41 = arith.constant 0 : i32
    %dma_start3A_42 = tpu.memref_slice %arg4[%dma_start3A_40, %dma_start3A_41] : memref<100000x128xf32, #tpu.memory_space<hbm>> -> memref<100000x128xf32, #tpu.memory_space<hbm>>
    tpu.enqueue_indirect_dma source(%dma_start3A_42 : memref<100000x128xf32, #tpu.memory_space<hbm>>) target(%arg14 : memref<128x128xf32, #tpu.memory_space<vmem>>) offsets(%dma_start3A_39 : memref<128xi32, #tpu.memory_space<vmem>>) semaphore(%arg20 : memref<!tpu.dma_semaphore, #tpu.memory_space<semaphore_mem>>)
    %dma_wait3A_43 = arith.constant 0 : i32
    %dma_wait3A_44 = arith.constant 0 : i32
    %dma_wait3A_45 = tpu.memref_slice %arg5[%dma_wait3A_43, %dma_wait3A_44] : memref<600x128xf32, #tpu.memory_space<hbm>> -> memref<128x128xf32, #tpu.memory_space<hbm>>
    %dma_wait3A_46 = arith.constant 0 : i32
    %dma_wait3A_47 = arith.constant 0 : i32
    %dma_wait3A_48 = tpu.memref_slice %arg5[%dma_wait3A_46, %dma_wait3A_47] : memref<600x128xf32, #tpu.memory_space<hbm>> -> memref<128x128xf32, #tpu.memory_space<hbm>>
    tpu.wait_dma2 semaphore(%arg22 : memref<!tpu.dma_semaphore, #tpu.memory_space<semaphore_mem>>) src(%dma_wait3A_48 : memref<128x128xf32, #tpu.memory_space<hbm>>) dst(%arg10 : memref<128x128xf32, #tpu.memory_space<vmem>>)
    %add3A_49 = arith.constant 0 : i32
    %add3A_50 = arith.addi %mul3A_2, %add3A_49 : i32
    %dma_start3A_51 = arith.constant 0 : i32
    %dma_start3A_52 = tpu.memref_slice %arg6[%add3A_50, %dma_start3A_51] : memref<204800x128xf32, #tpu.memory_space<hbm>> -> memref<128x128xf32, #tpu.memory_space<hbm>>
    %dma_start3A_53 = arith.constant 0 : i32
    %dma_start3A_54 = tpu.memref_slice %arg6[%add3A_50, %dma_start3A_53] : memref<204800x128xf32, #tpu.memory_space<hbm>> -> memref<128x128xf32, #tpu.memory_space<hbm>>
    tpu.enqueue_dma source(%arg10 : memref<128x128xf32, #tpu.memory_space<vmem>>) target(%dma_start3A_54 : memref<128x128xf32, #tpu.memory_space<hbm>>) target_semaphore(%arg28 : memref<!tpu.dma_semaphore, #tpu.memory_space<semaphore_mem>>)
    %dma_wait3A_55 = arith.constant 0 : i32
    %dma_wait3A_56 = arith.constant 0 : i32
    %dma_wait3A_57 = tpu.memref_slice %arg4[%dma_wait3A_55, %dma_wait3A_56] : memref<100000x128xf32, #tpu.memory_space<hbm>> -> memref<128x128xf32, #tpu.memory_space<hbm>>
    %dma_wait3A_58 = arith.constant 0 : i32
    %dma_wait3A_59 = arith.constant 0 : i32
    %dma_wait3A_60 = tpu.memref_slice %arg4[%dma_wait3A_58, %dma_wait3A_59] : memref<100000x128xf32, #tpu.memory_space<hbm>> -> memref<128x128xf32, #tpu.memory_space<hbm>>
    tpu.wait_dma2 semaphore(%arg17 : memref<!tpu.dma_semaphore, #tpu.memory_space<semaphore_mem>>) src(%dma_wait3A_60 : memref<128x128xf32, #tpu.memory_space<hbm>>) dst(%arg11 : memref<128x128xf32, #tpu.memory_space<vmem>>)
    %dma_start3A_61 = arith.constant 128 : i32
    %dma_start3A_62 = tpu.memref_slice %arg8[%dma_start3A_61] : memref<6400xi32, #tpu.memory_space<vmem>> -> memref<128xi32, #tpu.memory_space<vmem>>
    %dma_start3A_63 = arith.constant 0 : i32
    %dma_start3A_64 = arith.constant 0 : i32
    %dma_start3A_65 = tpu.memref_slice %arg9[%dma_start3A_63, %dma_start3A_64] : memref<600x128xf32, #tpu.memory_space<vmem_shared>> -> memref<600x128xf32, #tpu.memory_space<vmem_shared>>
    tpu.enqueue_indirect_dma source(%dma_start3A_65 : memref<600x128xf32, #tpu.memory_space<vmem_shared>>) target(%arg11 : memref<128x128xf32, #tpu.memory_space<vmem>>) offsets(%dma_start3A_62 : memref<128xi32, #tpu.memory_space<vmem>>) semaphore(%arg23 : memref<!tpu.dma_semaphore, #tpu.memory_space<semaphore_mem>>) {add = true}
    %dma_start3A_66 = arith.constant 640 : i32
    %dma_start3A_67 = tpu.memref_slice %arg7[%dma_start3A_66] : memref<6400xi32, #tpu.memory_space<vmem>> -> memref<128xi32, #tpu.memory_space<vmem>>
    %dma_start3A_68 = arith.constant 0 : i32
    %dma_start3A_69 = arith.constant 0 : i32
    %dma_start3A_70 = tpu.memref_slice %arg4[%dma_start3A_68, %dma_start3A_69] : memref<100000x128xf32, #tpu.memory_space<hbm>> -> memref<100000x128xf32, #tpu.memory_space<hbm>>
    tpu.enqueue_indirect_dma source(%dma_start3A_70 : memref<100000x128xf32, #tpu.memory_space<hbm>>) target(%arg15 : memref<128x128xf32, #tpu.memory_space<vmem>>) offsets(%dma_start3A_67 : memref<128xi32, #tpu.memory_space<vmem>>) semaphore(%arg21 : memref<!tpu.dma_semaphore, #tpu.memory_space<semaphore_mem>>)
    %scan3A_71 = arith.constant 0 : i32
    %scan3A_72 = arith.constant 0 : i32
    %scan3A_73 = arith.constant 7 : i32
    %scan3A_74 = arith.addi %scan3A_72, %scan3A_73 : i32
    %scan3A_75 = arith.constant 1 : i32
    %scan3A_76 = scf.for %scan3A_286 = %scan3A_72 to %scan3A_74 step %scan3A_75 iter_args(%scan3A_287 = %scan3A_71) -> (i32)  : i32 {
      %mul3A_288 = arith.constant 6 : i32
      %mul3A_289 = arith.muli %mul3A_288, %scan3A_286 : i32
      %add3A_290 = arith.constant 2 : i32
      %add3A_291 = arith.addi %mul3A_289, %add3A_290 : i32
      %add3A_292 = arith.constant 0 : i32
      %add3A_293 = arith.addi %add3A_291, %add3A_292 : i32
      %dma_wait3A_294 = arith.constant 0 : i32
      %dma_wait3A_295 = arith.constant 0 : i32
      %dma_wait3A_296 = tpu.memref_slice %arg5[%dma_wait3A_294, %dma_wait3A_295] : memref<600x128xf32, #tpu.memory_space<hbm>> -> memref<128x128xf32, #tpu.memory_space<hbm>>
      %dma_wait3A_297 = arith.constant 0 : i32
      %dma_wait3A_298 = arith.constant 0 : i32
      %dma_wait3A_299 = tpu.memref_slice %arg5[%dma_wait3A_297, %dma_wait3A_298] : memref<600x128xf32, #tpu.memory_space<hbm>> -> memref<128x128xf32, #tpu.memory_space<hbm>>
      tpu.wait_dma2 semaphore(%arg23 : memref<!tpu.dma_semaphore, #tpu.memory_space<semaphore_mem>>) src(%dma_wait3A_299 : memref<128x128xf32, #tpu.memory_space<hbm>>) dst(%arg11 : memref<128x128xf32, #tpu.memory_space<vmem>>)
      %sub3A = arith.constant 1 : i32
      %sub3A_300 = arith.subi %add3A_293, %sub3A : i32
      %mul3A_301 = arith.constant 128 : i32
      %mul3A_302 = arith.muli %sub3A_300, %mul3A_301 : i32
      %add3A_303 = arith.addi %mul3A_2, %mul3A_302 : i32
      %dma_start3A_304 = arith.constant 0 : i32
      %dma_start3A_305 = tpu.memref_slice %arg6[%add3A_303, %dma_start3A_304] : memref<204800x128xf32, #tpu.memory_space<hbm>> -> memref<128x128xf32, #tpu.memory_space<hbm>>
      %dma_start3A_306 = arith.constant 0 : i32
      %dma_start3A_307 = tpu.memref_slice %arg6[%add3A_303, %dma_start3A_306] : memref<204800x128xf32, #tpu.memory_space<hbm>> -> memref<128x128xf32, #tpu.memory_space<hbm>>
      tpu.enqueue_dma source(%arg11 : memref<128x128xf32, #tpu.memory_space<vmem>>) target(%dma_start3A_307 : memref<128x128xf32, #tpu.memory_space<hbm>>) target_semaphore(%arg29 : memref<!tpu.dma_semaphore, #tpu.memory_space<semaphore_mem>>)
      %dma_wait3A_308 = arith.constant 0 : i32
      %dma_wait3A_309 = arith.constant 0 : i32
      %dma_wait3A_310 = tpu.memref_slice %arg6[%dma_wait3A_308, %dma_wait3A_309] : memref<204800x128xf32, #tpu.memory_space<hbm>> -> memref<128x128xf32, #tpu.memory_space<hbm>>
      %dma_wait3A_311 = arith.constant 0 : i32
      %dma_wait3A_312 = arith.constant 0 : i32
      %dma_wait3A_313 = tpu.memref_slice %arg6[%dma_wait3A_311, %dma_wait3A_312] : memref<204800x128xf32, #tpu.memory_space<hbm>> -> memref<128x128xf32, #tpu.memory_space<hbm>>
      tpu.wait_dma2 semaphore(%arg28 : memref<!tpu.dma_semaphore, #tpu.memory_space<semaphore_mem>>) src(%arg10 : memref<128x128xf32, #tpu.memory_space<vmem>>) dst(%dma_wait3A_313 : memref<128x128xf32, #tpu.memory_space<hbm>>)
      %add3A_314 = arith.constant 4 : i32
      %add3A_315 = arith.addi %add3A_293, %add3A_314 : i32
      %mul3A_316 = arith.constant 128 : i32
      %mul3A_317 = arith.muli %add3A_315, %mul3A_316 : i32
      %dma_start3A_318 = tpu.memref_slice %arg7[%mul3A_317] : memref<6400xi32, #tpu.memory_space<vmem>> -> memref<128xi32, #tpu.memory_space<vmem>>
      %dma_start3A_319 = arith.constant 0 : i32
      %dma_start3A_320 = arith.constant 0 : i32
      %dma_start3A_321 = tpu.memref_slice %arg4[%dma_start3A_319, %dma_start3A_320] : memref<100000x128xf32, #tpu.memory_space<hbm>> -> memref<100000x128xf32, #tpu.memory_space<hbm>>
      tpu.enqueue_indirect_dma source(%dma_start3A_321 : memref<100000x128xf32, #tpu.memory_space<hbm>>) target(%arg10 : memref<128x128xf32, #tpu.memory_space<vmem>>) offsets(%dma_start3A_318 : memref<128xi32, #tpu.memory_space<vmem>>) semaphore(%arg16 : memref<!tpu.dma_semaphore, #tpu.memory_space<semaphore_mem>>)
      %dma_wait3A_322 = arith.constant 0 : i32
      %dma_wait3A_323 = arith.constant 0 : i32
      %dma_wait3A_324 = tpu.memref_slice %arg4[%dma_wait3A_322, %dma_wait3A_323] : memref<100000x128xf32, #tpu.memory_space<hbm>> -> memref<128x128xf32, #tpu.memory_space<hbm>>
      %dma_wait3A_325 = arith.constant 0 : i32
      %dma_wait3A_326 = arith.constant 0 : i32
      %dma_wait3A_327 = tpu.memref_slice %arg4[%dma_wait3A_325, %dma_wait3A_326] : memref<100000x128xf32, #tpu.memory_space<hbm>> -> memref<128x128xf32, #tpu.memory_space<hbm>>
      tpu.wait_dma2 semaphore(%arg18 : memref<!tpu.dma_semaphore, #tpu.memory_space<semaphore_mem>>) src(%dma_wait3A_327 : memref<128x128xf32, #tpu.memory_space<hbm>>) dst(%arg12 : memref<128x128xf32, #tpu.memory_space<vmem>>)
      %mul3A_328 = arith.constant 128 : i32
      %mul3A_329 = arith.muli %add3A_293, %mul3A_328 : i32
      %dma_start3A_330 = tpu.memref_slice %arg8[%mul3A_329] : memref<6400xi32, #tpu.memory_space<vmem>> -> memref<128xi32, #tpu.memory_space<vmem>>
      %dma_start3A_331 = arith.constant 0 : i32
      %dma_start3A_332 = arith.constant 0 : i32
      %dma_start3A_333 = tpu.memref_slice %arg9[%dma_start3A_331, %dma_start3A_332] : memref<600x128xf32, #tpu.memory_space<vmem_shared>> -> memref<600x128xf32, #tpu.memory_space<vmem_shared>>
      tpu.enqueue_indirect_dma source(%dma_start3A_333 : memref<600x128xf32, #tpu.memory_space<vmem_shared>>) target(%arg12 : memref<128x128xf32, #tpu.memory_space<vmem>>) offsets(%dma_start3A_330 : memref<128xi32, #tpu.memory_space<vmem>>) semaphore(%arg24 : memref<!tpu.dma_semaphore, #tpu.memory_space<semaphore_mem>>) {add = true}
      %add3A_334 = arith.constant 1 : i32
      %add3A_335 = arith.addi %add3A_291, %add3A_334 : i32
      %dma_wait3A_336 = arith.constant 0 : i32
      %dma_wait3A_337 = arith.constant 0 : i32
      %dma_wait3A_338 = tpu.memref_slice %arg5[%dma_wait3A_336, %dma_wait3A_337] : memref<600x128xf32, #tpu.memory_space<hbm>> -> memref<128x128xf32, #tpu.memory_space<hbm>>
      %dma_wait3A_339 = arith.constant 0 : i32
      %dma_wait3A_340 = arith.constant 0 : i32
      %dma_wait3A_341 = tpu.memref_slice %arg5[%dma_wait3A_339, %dma_wait3A_340] : memref<600x128xf32, #tpu.memory_space<hbm>> -> memref<128x128xf32, #tpu.memory_space<hbm>>
      tpu.wait_dma2 semaphore(%arg24 : memref<!tpu.dma_semaphore, #tpu.memory_space<semaphore_mem>>) src(%dma_wait3A_341 : memref<128x128xf32, #tpu.memory_space<hbm>>) dst(%arg12 : memref<128x128xf32, #tpu.memory_space<vmem>>)
      %sub3A_342 = arith.constant 1 : i32
      %sub3A_343 = arith.subi %add3A_335, %sub3A_342 : i32
      %mul3A_344 = arith.constant 128 : i32
      %mul3A_345 = arith.muli %sub3A_343, %mul3A_344 : i32
      %add3A_346 = arith.addi %mul3A_2, %mul3A_345 : i32
      %dma_start3A_347 = arith.constant 0 : i32
      %dma_start3A_348 = tpu.memref_slice %arg6[%add3A_346, %dma_start3A_347] : memref<204800x128xf32, #tpu.memory_space<hbm>> -> memref<128x128xf32, #tpu.memory_space<hbm>>
      %dma_start3A_349 = arith.constant 0 : i32
      %dma_start3A_350 = tpu.memref_slice %arg6[%add3A_346, %dma_start3A_349] : memref<204800x128xf32, #tpu.memory_space<hbm>> -> memref<128x128xf32, #tpu.memory_space<hbm>>
      tpu.enqueue_dma source(%arg12 : memref<128x128xf32, #tpu.memory_space<vmem>>) target(%dma_start3A_350 : memref<128x128xf32, #tpu.memory_space<hbm>>) target_semaphore(%arg30 : memref<!tpu.dma_semaphore, #tpu.memory_space<semaphore_mem>>)
      %dma_wait3A_351 = arith.constant 0 : i32
      %dma_wait3A_352 = arith.constant 0 : i32
      %dma_wait3A_353 = tpu.memref_slice %arg6[%dma_wait3A_351, %dma_wait3A_352] : memref<204800x128xf32, #tpu.memory_space<hbm>> -> memref<128x128xf32, #tpu.memory_space<hbm>>
      %dma_wait3A_354 = arith.constant 0 : i32
      %dma_wait3A_355 = arith.constant 0 : i32
      %dma_wait3A_356 = tpu.memref_slice %arg6[%dma_wait3A_354, %dma_wait3A_355] : memref<204800x128xf32, #tpu.memory_space<hbm>> -> memref<128x128xf32, #tpu.memory_space<hbm>>
      tpu.wait_dma2 semaphore(%arg29 : memref<!tpu.dma_semaphore, #tpu.memory_space<semaphore_mem>>) src(%arg11 : memref<128x128xf32, #tpu.memory_space<vmem>>) dst(%dma_wait3A_356 : memref<128x128xf32, #tpu.memory_space<hbm>>)
      %add3A_357 = arith.constant 4 : i32
      %add3A_358 = arith.addi %add3A_335, %add3A_357 : i32
      %mul3A_359 = arith.constant 128 : i32
      %mul3A_360 = arith.muli %add3A_358, %mul3A_359 : i32
      %dma_start3A_361 = tpu.memref_slice %arg7[%mul3A_360] : memref<6400xi32, #tpu.memory_space<vmem>> -> memref<128xi32, #tpu.memory_space<vmem>>
      %dma_start3A_362 = arith.constant 0 : i32
      %dma_start3A_363 = arith.constant 0 : i32
      %dma_start3A_364 = tpu.memref_slice %arg4[%dma_start3A_362, %dma_start3A_363] : memref<100000x128xf32, #tpu.memory_space<hbm>> -> memref<100000x128xf32, #tpu.memory_space<hbm>>
      tpu.enqueue_indirect_dma source(%dma_start3A_364 : memref<100000x128xf32, #tpu.memory_space<hbm>>) target(%arg11 : memref<128x128xf32, #tpu.memory_space<vmem>>) offsets(%dma_start3A_361 : memref<128xi32, #tpu.memory_space<vmem>>) semaphore(%arg17 : memref<!tpu.dma_semaphore, #tpu.memory_space<semaphore_mem>>)
      %dma_wait3A_365 = arith.constant 0 : i32
      %dma_wait3A_366 = arith.constant 0 : i32
      %dma_wait3A_367 = tpu.memref_slice %arg4[%dma_wait3A_365, %dma_wait3A_366] : memref<100000x128xf32, #tpu.memory_space<hbm>> -> memref<128x128xf32, #tpu.memory_space<hbm>>
      %dma_wait3A_368 = arith.constant 0 : i32
      %dma_wait3A_369 = arith.constant 0 : i32
      %dma_wait3A_370 = tpu.memref_slice %arg4[%dma_wait3A_368, %dma_wait3A_369] : memref<100000x128xf32, #tpu.memory_space<hbm>> -> memref<128x128xf32, #tpu.memory_space<hbm>>
      tpu.wait_dma2 semaphore(%arg19 : memref<!tpu.dma_semaphore, #tpu.memory_space<semaphore_mem>>) src(%dma_wait3A_370 : memref<128x128xf32, #tpu.memory_space<hbm>>) dst(%arg13 : memref<128x128xf32, #tpu.memory_space<vmem>>)
      %mul3A_371 = arith.constant 128 : i32
      %mul3A_372 = arith.muli %add3A_335, %mul3A_371 : i32
      %dma_start3A_373 = tpu.memref_slice %arg8[%mul3A_372] : memref<6400xi32, #tpu.memory_space<vmem>> -> memref<128xi32, #tpu.memory_space<vmem>>
      %dma_start3A_374 = arith.constant 0 : i32
      %dma_start3A_375 = arith.constant 0 : i32
      %dma_start3A_376 = tpu.memref_slice %arg9[%dma_start3A_374, %dma_start3A_375] : memref<600x128xf32, #tpu.memory_space<vmem_shared>> -> memref<600x128xf32, #tpu.memory_space<vmem_shared>>
      tpu.enqueue_indirect_dma source(%dma_start3A_376 : memref<600x128xf32, #tpu.memory_space<vmem_shared>>) target(%arg13 : memref<128x128xf32, #tpu.memory_space<vmem>>) offsets(%dma_start3A_373 : memref<128xi32, #tpu.memory_space<vmem>>) semaphore(%arg25 : memref<!tpu.dma_semaphore, #tpu.memory_space<semaphore_mem>>) {add = true}
      %add3A_377 = arith.constant 2 : i32
      %add3A_378 = arith.addi %add3A_291, %add3A_377 : i32
      %dma_wait3A_379 = arith.constant 0 : i32
      %dma_wait3A_380 = arith.constant 0 : i32
      %dma_wait3A_381 = tpu.memref_slice %arg5[%dma_wait3A_379, %dma_wait3A_380] : memref<600x128xf32, #tpu.memory_space<hbm>> -> memref<128x128xf32, #tpu.memory_space<hbm>>
      %dma_wait3A_382 = arith.constant 0 : i32
      %dma_wait3A_383 = arith.constant 0 : i32
      %dma_wait3A_384 = tpu.memref_slice %arg5[%dma_wait3A_382, %dma_wait3A_383] : memref<600x128xf32, #tpu.memory_space<hbm>> -> memref<128x128xf32, #tpu.memory_space<hbm>>
      tpu.wait_dma2 semaphore(%arg25 : memref<!tpu.dma_semaphore, #tpu.memory_space<semaphore_mem>>) src(%dma_wait3A_384 : memref<128x128xf32, #tpu.memory_space<hbm>>) dst(%arg13 : memref<128x128xf32, #tpu.memory_space<vmem>>)
      %sub3A_385 = arith.constant 1 : i32
      %sub3A_386 = arith.subi %add3A_378, %sub3A_385 : i32
      %mul3A_387 = arith.constant 128 : i32
      %mul3A_388 = arith.muli %sub3A_386, %mul3A_387 : i32
      %add3A_389 = arith.addi %mul3A_2, %mul3A_388 : i32
      %dma_start3A_390 = arith.constant 0 : i32
      %dma_start3A_391 = tpu.memref_slice %arg6[%add3A_389, %dma_start3A_390] : memref<204800x128xf32, #tpu.memory_space<hbm>> -> memref<128x128xf32, #tpu.memory_space<hbm>>
      %dma_start3A_392 = arith.constant 0 : i32
      %dma_start3A_393 = tpu.memref_slice %arg6[%add3A_389, %dma_start3A_392] : memref<204800x128xf32, #tpu.memory_space<hbm>> -> memref<128x128xf32, #tpu.memory_space<hbm>>
      tpu.enqueue_dma source(%arg13 : memref<128x128xf32, #tpu.memory_space<vmem>>) target(%dma_start3A_393 : memref<128x128xf32, #tpu.memory_space<hbm>>) target_semaphore(%arg31 : memref<!tpu.dma_semaphore, #tpu.memory_space<semaphore_mem>>)
      %dma_wait3A_394 = arith.constant 0 : i32
      %dma_wait3A_395 = arith.constant 0 : i32
      %dma_wait3A_396 = tpu.memref_slice %arg6[%dma_wait3A_394, %dma_wait3A_395] : memref<204800x128xf32, #tpu.memory_space<hbm>> -> memref<128x128xf32, #tpu.memory_space<hbm>>
      %dma_wait3A_397 = arith.constant 0 : i32
      %dma_wait3A_398 = arith.constant 0 : i32
      %dma_wait3A_399 = tpu.memref_slice %arg6[%dma_wait3A_397, %dma_wait3A_398] : memref<204800x128xf32, #tpu.memory_space<hbm>> -> memref<128x128xf32, #tpu.memory_space<hbm>>
      tpu.wait_dma2 semaphore(%arg30 : memref<!tpu.dma_semaphore, #tpu.memory_space<semaphore_mem>>) src(%arg12 : memref<128x128xf32, #tpu.memory_space<vmem>>) dst(%dma_wait3A_399 : memref<128x128xf32, #tpu.memory_space<hbm>>)
      %add3A_400 = arith.constant 4 : i32
      %add3A_401 = arith.addi %add3A_378, %add3A_400 : i32
      %mul3A_402 = arith.constant 128 : i32
      %mul3A_403 = arith.muli %add3A_401, %mul3A_402 : i32
      %dma_start3A_404 = tpu.memref_slice %arg7[%mul3A_403] : memref<6400xi32, #tpu.memory_space<vmem>> -> memref<128xi32, #tpu.memory_space<vmem>>
      %dma_start3A_405 = arith.constant 0 : i32
      %dma_start3A_406 = arith.constant 0 : i32
      %dma_start3A_407 = tpu.memref_slice %arg4[%dma_start3A_405, %dma_start3A_406] : memref<100000x128xf32, #tpu.memory_space<hbm>> -> memref<100000x128xf32, #tpu.memory_space<hbm>>
      tpu.enqueue_indirect_dma source(%dma_start3A_407 : memref<100000x128xf32, #tpu.memory_space<hbm>>) target(%arg12 : memref<128x128xf32, #tpu.memory_space<vmem>>) offsets(%dma_start3A_404 : memref<128xi32, #tpu.memory_space<vmem>>) semaphore(%arg18 : memref<!tpu.dma_semaphore, #tpu.memory_space<semaphore_mem>>)
      %dma_wait3A_408 = arith.constant 0 : i32
      %dma_wait3A_409 = arith.constant 0 : i32
      %dma_wait3A_410 = tpu.memref_slice %arg4[%dma_wait3A_408, %dma_wait3A_409] : memref<100000x128xf32, #tpu.memory_space<hbm>> -> memref<128x128xf32, #tpu.memory_space<hbm>>
      %dma_wait3A_411 = arith.constant 0 : i32
      %dma_wait3A_412 = arith.constant 0 : i32
      %dma_wait3A_413 = tpu.memref_slice %arg4[%dma_wait3A_411, %dma_wait3A_412] : memref<100000x128xf32, #tpu.memory_space<hbm>> -> memref<128x128xf32, #tpu.memory_space<hbm>>
      tpu.wait_dma2 semaphore(%arg20 : memref<!tpu.dma_semaphore, #tpu.memory_space<semaphore_mem>>) src(%dma_wait3A_413 : memref<128x128xf32, #tpu.memory_space<hbm>>) dst(%arg14 : memref<128x128xf32, #tpu.memory_space<vmem>>)
      %mul3A_414 = arith.constant 128 : i32
      %mul3A_415 = arith.muli %add3A_378, %mul3A_414 : i32
      %dma_start3A_416 = tpu.memref_slice %arg8[%mul3A_415] : memref<6400xi32, #tpu.memory_space<vmem>> -> memref<128xi32, #tpu.memory_space<vmem>>
      %dma_start3A_417 = arith.constant 0 : i32
      %dma_start3A_418 = arith.constant 0 : i32
      %dma_start3A_419 = tpu.memref_slice %arg9[%dma_start3A_417, %dma_start3A_418] : memref<600x128xf32, #tpu.memory_space<vmem_shared>> -> memref<600x128xf32, #tpu.memory_space<vmem_shared>>
      tpu.enqueue_indirect_dma source(%dma_start3A_419 : memref<600x128xf32, #tpu.memory_space<vmem_shared>>) target(%arg14 : memref<128x128xf32, #tpu.memory_space<vmem>>) offsets(%dma_start3A_416 : memref<128xi32, #tpu.memory_space<vmem>>) semaphore(%arg26 : memref<!tpu.dma_semaphore, #tpu.memory_space<semaphore_mem>>) {add = true}
      %add3A_420 = arith.constant 3 : i32
      %add3A_421 = arith.addi %add3A_291, %add3A_420 : i32
      %dma_wait3A_422 = arith.constant 0 : i32
      %dma_wait3A_423 = arith.constant 0 : i32
      %dma_wait3A_424 = tpu.memref_slice %arg5[%dma_wait3A_422, %dma_wait3A_423] : memref<600x128xf32, #tpu.memory_space<hbm>> -> memref<128x128xf32, #tpu.memory_space<hbm>>
      %dma_wait3A_425 = arith.constant 0 : i32
      %dma_wait3A_426 = arith.constant 0 : i32
      %dma_wait3A_427 = tpu.memref_slice %arg5[%dma_wait3A_425, %dma_wait3A_426] : memref<600x128xf32, #tpu.memory_space<hbm>> -> memref<128x128xf32, #tpu.memory_space<hbm>>
      tpu.wait_dma2 semaphore(%arg26 : memref<!tpu.dma_semaphore, #tpu.memory_space<semaphore_mem>>) src(%dma_wait3A_427 : memref<128x128xf32, #tpu.memory_space<hbm>>) dst(%arg14 : memref<128x128xf32, #tpu.memory_space<vmem>>)
      %sub3A_428 = arith.constant 1 : i32
      %sub3A_429 = arith.subi %add3A_421, %sub3A_428 : i32
      %mul3A_430 = arith.constant 128 : i32
      %mul3A_431 = arith.muli %sub3A_429, %mul3A_430 : i32
      %add3A_432 = arith.addi %mul3A_2, %mul3A_431 : i32
      %dma_start3A_433 = arith.constant 0 : i32
      %dma_start3A_434 = tpu.memref_slice %arg6[%add3A_432, %dma_start3A_433] : memref<204800x128xf32, #tpu.memory_space<hbm>> -> memref<128x128xf32, #tpu.memory_space<hbm>>
      %dma_start3A_435 = arith.constant 0 : i32
      %dma_start3A_436 = tpu.memref_slice %arg6[%add3A_432, %dma_start3A_435] : memref<204800x128xf32, #tpu.memory_space<hbm>> -> memref<128x128xf32, #tpu.memory_space<hbm>>
      tpu.enqueue_dma source(%arg14 : memref<128x128xf32, #tpu.memory_space<vmem>>) target(%dma_start3A_436 : memref<128x128xf32, #tpu.memory_space<hbm>>) target_semaphore(%arg32 : memref<!tpu.dma_semaphore, #tpu.memory_space<semaphore_mem>>)
      %dma_wait3A_437 = arith.constant 0 : i32
      %dma_wait3A_438 = arith.constant 0 : i32
      %dma_wait3A_439 = tpu.memref_slice %arg6[%dma_wait3A_437, %dma_wait3A_438] : memref<204800x128xf32, #tpu.memory_space<hbm>> -> memref<128x128xf32, #tpu.memory_space<hbm>>
      %dma_wait3A_440 = arith.constant 0 : i32
      %dma_wait3A_441 = arith.constant 0 : i32
      %dma_wait3A_442 = tpu.memref_slice %arg6[%dma_wait3A_440, %dma_wait3A_441] : memref<204800x128xf32, #tpu.memory_space<hbm>> -> memref<128x128xf32, #tpu.memory_space<hbm>>
      tpu.wait_dma2 semaphore(%arg31 : memref<!tpu.dma_semaphore, #tpu.memory_space<semaphore_mem>>) src(%arg13 : memref<128x128xf32, #tpu.memory_space<vmem>>) dst(%dma_wait3A_442 : memref<128x128xf32, #tpu.memory_space<hbm>>)
      %add3A_443 = arith.constant 4 : i32
      %add3A_444 = arith.addi %add3A_421, %add3A_443 : i32
      %mul3A_445 = arith.constant 128 : i32
      %mul3A_446 = arith.muli %add3A_444, %mul3A_445 : i32
      %dma_start3A_447 = tpu.memref_slice %arg7[%mul3A_446] : memref<6400xi32, #tpu.memory_space<vmem>> -> memref<128xi32, #tpu.memory_space<vmem>>
      %dma_start3A_448 = arith.constant 0 : i32
      %dma_start3A_449 = arith.constant 0 : i32
      %dma_start3A_450 = tpu.memref_slice %arg4[%dma_start3A_448, %dma_start3A_449] : memref<100000x128xf32, #tpu.memory_space<hbm>> -> memref<100000x128xf32, #tpu.memory_space<hbm>>
      tpu.enqueue_indirect_dma source(%dma_start3A_450 : memref<100000x128xf32, #tpu.memory_space<hbm>>) target(%arg13 : memref<128x128xf32, #tpu.memory_space<vmem>>) offsets(%dma_start3A_447 : memref<128xi32, #tpu.memory_space<vmem>>) semaphore(%arg19 : memref<!tpu.dma_semaphore, #tpu.memory_space<semaphore_mem>>)
      %dma_wait3A_451 = arith.constant 0 : i32
      %dma_wait3A_452 = arith.constant 0 : i32
      %dma_wait3A_453 = tpu.memref_slice %arg4[%dma_wait3A_451, %dma_wait3A_452] : memref<100000x128xf32, #tpu.memory_space<hbm>> -> memref<128x128xf32, #tpu.memory_space<hbm>>
      %dma_wait3A_454 = arith.constant 0 : i32
      %dma_wait3A_455 = arith.constant 0 : i32
      %dma_wait3A_456 = tpu.memref_slice %arg4[%dma_wait3A_454, %dma_wait3A_455] : memref<100000x128xf32, #tpu.memory_space<hbm>> -> memref<128x128xf32, #tpu.memory_space<hbm>>
      tpu.wait_dma2 semaphore(%arg21 : memref<!tpu.dma_semaphore, #tpu.memory_space<semaphore_mem>>) src(%dma_wait3A_456 : memref<128x128xf32, #tpu.memory_space<hbm>>) dst(%arg15 : memref<128x128xf32, #tpu.memory_space<vmem>>)
      %mul3A_457 = arith.constant 128 : i32
      %mul3A_458 = arith.muli %add3A_421, %mul3A_457 : i32
      %dma_start3A_459 = tpu.memref_slice %arg8[%mul3A_458] : memref<6400xi32, #tpu.memory_space<vmem>> -> memref<128xi32, #tpu.memory_space<vmem>>
      %dma_start3A_460 = arith.constant 0 : i32
      %dma_start3A_461 = arith.constant 0 : i32
      %dma_start3A_462 = tpu.memref_slice %arg9[%dma_start3A_460, %dma_start3A_461] : memref<600x128xf32, #tpu.memory_space<vmem_shared>> -> memref<600x128xf32, #tpu.memory_space<vmem_shared>>
      tpu.enqueue_indirect_dma source(%dma_start3A_462 : memref<600x128xf32, #tpu.memory_space<vmem_shared>>) target(%arg15 : memref<128x128xf32, #tpu.memory_space<vmem>>) offsets(%dma_start3A_459 : memref<128xi32, #tpu.memory_space<vmem>>) semaphore(%arg27 : memref<!tpu.dma_semaphore, #tpu.memory_space<semaphore_mem>>) {add = true}
      %add3A_463 = arith.constant 4 : i32
      %add3A_464 = arith.addi %add3A_291, %add3A_463 : i32
      %dma_wait3A_465 = arith.constant 0 : i32
      %dma_wait3A_466 = arith.constant 0 : i32
      %dma_wait3A_467 = tpu.memref_slice %arg5[%dma_wait3A_465, %dma_wait3A_466] : memref<600x128xf32, #tpu.memory_space<hbm>> -> memref<128x128xf32, #tpu.memory_space<hbm>>
      %dma_wait3A_468 = arith.constant 0 : i32
      %dma_wait3A_469 = arith.constant 0 : i32
      %dma_wait3A_470 = tpu.memref_slice %arg5[%dma_wait3A_468, %dma_wait3A_469] : memref<600x128xf32, #tpu.memory_space<hbm>> -> memref<128x128xf32, #tpu.memory_space<hbm>>
      tpu.wait_dma2 semaphore(%arg27 : memref<!tpu.dma_semaphore, #tpu.memory_space<semaphore_mem>>) src(%dma_wait3A_470 : memref<128x128xf32, #tpu.memory_space<hbm>>) dst(%arg15 : memref<128x128xf32, #tpu.memory_space<vmem>>)
      %sub3A_471 = arith.constant 1 : i32
      %sub3A_472 = arith.subi %add3A_464, %sub3A_471 : i32
      %mul3A_473 = arith.constant 128 : i32
      %mul3A_474 = arith.muli %sub3A_472, %mul3A_473 : i32
      %add3A_475 = arith.addi %mul3A_2, %mul3A_474 : i32
      %dma_start3A_476 = arith.constant 0 : i32
      %dma_start3A_477 = tpu.memref_slice %arg6[%add3A_475, %dma_start3A_476] : memref<204800x128xf32, #tpu.memory_space<hbm>> -> memref<128x128xf32, #tpu.memory_space<hbm>>
      %dma_start3A_478 = arith.constant 0 : i32
      %dma_start3A_479 = tpu.memref_slice %arg6[%add3A_475, %dma_start3A_478] : memref<204800x128xf32, #tpu.memory_space<hbm>> -> memref<128x128xf32, #tpu.memory_space<hbm>>
      tpu.enqueue_dma source(%arg15 : memref<128x128xf32, #tpu.memory_space<vmem>>) target(%dma_start3A_479 : memref<128x128xf32, #tpu.memory_space<hbm>>) target_semaphore(%arg33 : memref<!tpu.dma_semaphore, #tpu.memory_space<semaphore_mem>>)
      %dma_wait3A_480 = arith.constant 0 : i32
      %dma_wait3A_481 = arith.constant 0 : i32
      %dma_wait3A_482 = tpu.memref_slice %arg6[%dma_wait3A_480, %dma_wait3A_481] : memref<204800x128xf32, #tpu.memory_space<hbm>> -> memref<128x128xf32, #tpu.memory_space<hbm>>
      %dma_wait3A_483 = arith.constant 0 : i32
      %dma_wait3A_484 = arith.constant 0 : i32
      %dma_wait3A_485 = tpu.memref_slice %arg6[%dma_wait3A_483, %dma_wait3A_484] : memref<204800x128xf32, #tpu.memory_space<hbm>> -> memref<128x128xf32, #tpu.memory_space<hbm>>
      tpu.wait_dma2 semaphore(%arg32 : memref<!tpu.dma_semaphore, #tpu.memory_space<semaphore_mem>>) src(%arg14 : memref<128x128xf32, #tpu.memory_space<vmem>>) dst(%dma_wait3A_485 : memref<128x128xf32, #tpu.memory_space<hbm>>)
      %add3A_486 = arith.constant 4 : i32
      %add3A_487 = arith.addi %add3A_464, %add3A_486 : i32
      %mul3A_488 = arith.constant 128 : i32
      %mul3A_489 = arith.muli %add3A_487, %mul3A_488 : i32
      %dma_start3A_490 = tpu.memref_slice %arg7[%mul3A_489] : memref<6400xi32, #tpu.memory_space<vmem>> -> memref<128xi32, #tpu.memory_space<vmem>>
      %dma_start3A_491 = arith.constant 0 : i32
      %dma_start3A_492 = arith.constant 0 : i32
      %dma_start3A_493 = tpu.memref_slice %arg4[%dma_start3A_491, %dma_start3A_492] : memref<100000x128xf32, #tpu.memory_space<hbm>> -> memref<100000x128xf32, #tpu.memory_space<hbm>>
      tpu.enqueue_indirect_dma source(%dma_start3A_493 : memref<100000x128xf32, #tpu.memory_space<hbm>>) target(%arg14 : memref<128x128xf32, #tpu.memory_space<vmem>>) offsets(%dma_start3A_490 : memref<128xi32, #tpu.memory_space<vmem>>) semaphore(%arg20 : memref<!tpu.dma_semaphore, #tpu.memory_space<semaphore_mem>>)
      %dma_wait3A_494 = arith.constant 0 : i32
      %dma_wait3A_495 = arith.constant 0 : i32
      %dma_wait3A_496 = tpu.memref_slice %arg4[%dma_wait3A_494, %dma_wait3A_495] : memref<100000x128xf32, #tpu.memory_space<hbm>> -> memref<128x128xf32, #tpu.memory_space<hbm>>
      %dma_wait3A_497 = arith.constant 0 : i32
      %dma_wait3A_498 = arith.constant 0 : i32
      %dma_wait3A_499 = tpu.memref_slice %arg4[%dma_wait3A_497, %dma_wait3A_498] : memref<100000x128xf32, #tpu.memory_space<hbm>> -> memref<128x128xf32, #tpu.memory_space<hbm>>
      tpu.wait_dma2 semaphore(%arg16 : memref<!tpu.dma_semaphore, #tpu.memory_space<semaphore_mem>>) src(%dma_wait3A_499 : memref<128x128xf32, #tpu.memory_space<hbm>>) dst(%arg10 : memref<128x128xf32, #tpu.memory_space<vmem>>)
      %mul3A_500 = arith.constant 128 : i32
      %mul3A_501 = arith.muli %add3A_464, %mul3A_500 : i32
      %dma_start3A_502 = tpu.memref_slice %arg8[%mul3A_501] : memref<6400xi32, #tpu.memory_space<vmem>> -> memref<128xi32, #tpu.memory_space<vmem>>
      %dma_start3A_503 = arith.constant 0 : i32
      %dma_start3A_504 = arith.constant 0 : i32
      %dma_start3A_505 = tpu.memref_slice %arg9[%dma_start3A_503, %dma_start3A_504] : memref<600x128xf32, #tpu.memory_space<vmem_shared>> -> memref<600x128xf32, #tpu.memory_space<vmem_shared>>
      tpu.enqueue_indirect_dma source(%dma_start3A_505 : memref<600x128xf32, #tpu.memory_space<vmem_shared>>) target(%arg10 : memref<128x128xf32, #tpu.memory_space<vmem>>) offsets(%dma_start3A_502 : memref<128xi32, #tpu.memory_space<vmem>>) semaphore(%arg22 : memref<!tpu.dma_semaphore, #tpu.memory_space<semaphore_mem>>) {add = true}
      %add3A_506 = arith.constant 5 : i32
      %add3A_507 = arith.addi %add3A_291, %add3A_506 : i32
      %dma_wait3A_508 = arith.constant 0 : i32
      %dma_wait3A_509 = arith.constant 0 : i32
      %dma_wait3A_510 = tpu.memref_slice %arg5[%dma_wait3A_508, %dma_wait3A_509] : memref<600x128xf32, #tpu.memory_space<hbm>> -> memref<128x128xf32, #tpu.memory_space<hbm>>
      %dma_wait3A_511 = arith.constant 0 : i32
      %dma_wait3A_512 = arith.constant 0 : i32
      %dma_wait3A_513 = tpu.memref_slice %arg5[%dma_wait3A_511, %dma_wait3A_512] : memref<600x128xf32, #tpu.memory_space<hbm>> -> memref<128x128xf32, #tpu.memory_space<hbm>>
      tpu.wait_dma2 semaphore(%arg22 : memref<!tpu.dma_semaphore, #tpu.memory_space<semaphore_mem>>) src(%dma_wait3A_513 : memref<128x128xf32, #tpu.memory_space<hbm>>) dst(%arg10 : memref<128x128xf32, #tpu.memory_space<vmem>>)
      %sub3A_514 = arith.constant 1 : i32
      %sub3A_515 = arith.subi %add3A_507, %sub3A_514 : i32
      %mul3A_516 = arith.constant 128 : i32
      %mul3A_517 = arith.muli %sub3A_515, %mul3A_516 : i32
      %add3A_518 = arith.addi %mul3A_2, %mul3A_517 : i32
      %dma_start3A_519 = arith.constant 0 : i32
      %dma_start3A_520 = tpu.memref_slice %arg6[%add3A_518, %dma_start3A_519] : memref<204800x128xf32, #tpu.memory_space<hbm>> -> memref<128x128xf32, #tpu.memory_space<hbm>>
      %dma_start3A_521 = arith.constant 0 : i32
      %dma_start3A_522 = tpu.memref_slice %arg6[%add3A_518, %dma_start3A_521] : memref<204800x128xf32, #tpu.memory_space<hbm>> -> memref<128x128xf32, #tpu.memory_space<hbm>>
      tpu.enqueue_dma source(%arg10 : memref<128x128xf32, #tpu.memory_space<vmem>>) target(%dma_start3A_522 : memref<128x128xf32, #tpu.memory_space<hbm>>) target_semaphore(%arg28 : memref<!tpu.dma_semaphore, #tpu.memory_space<semaphore_mem>>)
      %dma_wait3A_523 = arith.constant 0 : i32
      %dma_wait3A_524 = arith.constant 0 : i32
      %dma_wait3A_525 = tpu.memref_slice %arg6[%dma_wait3A_523, %dma_wait3A_524] : memref<204800x128xf32, #tpu.memory_space<hbm>> -> memref<128x128xf32, #tpu.memory_space<hbm>>
      %dma_wait3A_526 = arith.constant 0 : i32
      %dma_wait3A_527 = arith.constant 0 : i32
      %dma_wait3A_528 = tpu.memref_slice %arg6[%dma_wait3A_526, %dma_wait3A_527] : memref<204800x128xf32, #tpu.memory_space<hbm>> -> memref<128x128xf32, #tpu.memory_space<hbm>>
      tpu.wait_dma2 semaphore(%arg33 : memref<!tpu.dma_semaphore, #tpu.memory_space<semaphore_mem>>) src(%arg15 : memref<128x128xf32, #tpu.memory_space<vmem>>) dst(%dma_wait3A_528 : memref<128x128xf32, #tpu.memory_space<hbm>>)
      %add3A_529 = arith.constant 4 : i32
      %add3A_530 = arith.addi %add3A_507, %add3A_529 : i32
      %mul3A_531 = arith.constant 128 : i32
      %mul3A_532 = arith.muli %add3A_530, %mul3A_531 : i32
      %dma_start3A_533 = tpu.memref_slice %arg7[%mul3A_532] : memref<6400xi32, #tpu.memory_space<vmem>> -> memref<128xi32, #tpu.memory_space<vmem>>
      %dma_start3A_534 = arith.constant 0 : i32
      %dma_start3A_535 = arith.constant 0 : i32
      %dma_start3A_536 = tpu.memref_slice %arg4[%dma_start3A_534, %dma_start3A_535] : memref<100000x128xf32, #tpu.memory_space<hbm>> -> memref<100000x128xf32, #tpu.memory_space<hbm>>
      tpu.enqueue_indirect_dma source(%dma_start3A_536 : memref<100000x128xf32, #tpu.memory_space<hbm>>) target(%arg15 : memref<128x128xf32, #tpu.memory_space<vmem>>) offsets(%dma_start3A_533 : memref<128xi32, #tpu.memory_space<vmem>>) semaphore(%arg21 : memref<!tpu.dma_semaphore, #tpu.memory_space<semaphore_mem>>)
      %dma_wait3A_537 = arith.constant 0 : i32
      %dma_wait3A_538 = arith.constant 0 : i32
      %dma_wait3A_539 = tpu.memref_slice %arg4[%dma_wait3A_537, %dma_wait3A_538] : memref<100000x128xf32, #tpu.memory_space<hbm>> -> memref<128x128xf32, #tpu.memory_space<hbm>>
      %dma_wait3A_540 = arith.constant 0 : i32
      %dma_wait3A_541 = arith.constant 0 : i32
      %dma_wait3A_542 = tpu.memref_slice %arg4[%dma_wait3A_540, %dma_wait3A_541] : memref<100000x128xf32, #tpu.memory_space<hbm>> -> memref<128x128xf32, #tpu.memory_space<hbm>>
      tpu.wait_dma2 semaphore(%arg17 : memref<!tpu.dma_semaphore, #tpu.memory_space<semaphore_mem>>) src(%dma_wait3A_542 : memref<128x128xf32, #tpu.memory_space<hbm>>) dst(%arg11 : memref<128x128xf32, #tpu.memory_space<vmem>>)
      %mul3A_543 = arith.constant 128 : i32
      %mul3A_544 = arith.muli %add3A_507, %mul3A_543 : i32
      %dma_start3A_545 = tpu.memref_slice %arg8[%mul3A_544] : memref<6400xi32, #tpu.memory_space<vmem>> -> memref<128xi32, #tpu.memory_space<vmem>>
      %dma_start3A_546 = arith.constant 0 : i32
      %dma_start3A_547 = arith.constant 0 : i32
      %dma_start3A_548 = tpu.memref_slice %arg9[%dma_start3A_546, %dma_start3A_547] : memref<600x128xf32, #tpu.memory_space<vmem_shared>> -> memref<600x128xf32, #tpu.memory_space<vmem_shared>>
      tpu.enqueue_indirect_dma source(%dma_start3A_548 : memref<600x128xf32, #tpu.memory_space<vmem_shared>>) target(%arg11 : memref<128x128xf32, #tpu.memory_space<vmem>>) offsets(%dma_start3A_545 : memref<128xi32, #tpu.memory_space<vmem>>) semaphore(%arg23 : memref<!tpu.dma_semaphore, #tpu.memory_space<semaphore_mem>>) {add = true}
      %scan3A_549 = arith.constant 0 : i32
      scf.yield %scan3A_549 : i32
    }
    %scan3A_77 = arith.constant 7 : i32
    %dma_wait3A_78 = arith.constant 0 : i32
    %dma_wait3A_79 = arith.constant 0 : i32
    %dma_wait3A_80 = tpu.memref_slice %arg5[%dma_wait3A_78, %dma_wait3A_79] : memref<600x128xf32, #tpu.memory_space<hbm>> -> memref<128x128xf32, #tpu.memory_space<hbm>>
    %dma_wait3A_81 = arith.constant 0 : i32
    %dma_wait3A_82 = arith.constant 0 : i32
    %dma_wait3A_83 = tpu.memref_slice %arg5[%dma_wait3A_81, %dma_wait3A_82] : memref<600x128xf32, #tpu.memory_space<hbm>> -> memref<128x128xf32, #tpu.memory_space<hbm>>
    tpu.wait_dma2 semaphore(%arg23 : memref<!tpu.dma_semaphore, #tpu.memory_space<semaphore_mem>>) src(%dma_wait3A_83 : memref<128x128xf32, #tpu.memory_space<hbm>>) dst(%arg11 : memref<128x128xf32, #tpu.memory_space<vmem>>)
    %add3A_84 = arith.constant 5504 : i32
    %add3A_85 = arith.addi %mul3A_2, %add3A_84 : i32
    %dma_start3A_86 = arith.constant 0 : i32
    %dma_start3A_87 = tpu.memref_slice %arg6[%add3A_85, %dma_start3A_86] : memref<204800x128xf32, #tpu.memory_space<hbm>> -> memref<128x128xf32, #tpu.memory_space<hbm>>
    %dma_start3A_88 = arith.constant 0 : i32
    %dma_start3A_89 = tpu.memref_slice %arg6[%add3A_85, %dma_start3A_88] : memref<204800x128xf32, #tpu.memory_space<hbm>> -> memref<128x128xf32, #tpu.memory_space<hbm>>
    tpu.enqueue_dma source(%arg11 : memref<128x128xf32, #tpu.memory_space<vmem>>) target(%dma_start3A_89 : memref<128x128xf32, #tpu.memory_space<hbm>>) target_semaphore(%arg29 : memref<!tpu.dma_semaphore, #tpu.memory_space<semaphore_mem>>)
    %dma_wait3A_90 = arith.constant 0 : i32
    %dma_wait3A_91 = arith.constant 0 : i32
    %dma_wait3A_92 = tpu.memref_slice %arg6[%dma_wait3A_90, %dma_wait3A_91] : memref<204800x128xf32, #tpu.memory_space<hbm>> -> memref<128x128xf32, #tpu.memory_space<hbm>>
    %dma_wait3A_93 = arith.constant 0 : i32
    %dma_wait3A_94 = arith.constant 0 : i32
    %dma_wait3A_95 = tpu.memref_slice %arg6[%dma_wait3A_93, %dma_wait3A_94] : memref<204800x128xf32, #tpu.memory_space<hbm>> -> memref<128x128xf32, #tpu.memory_space<hbm>>
    tpu.wait_dma2 semaphore(%arg28 : memref<!tpu.dma_semaphore, #tpu.memory_space<semaphore_mem>>) src(%arg10 : memref<128x128xf32, #tpu.memory_space<vmem>>) dst(%dma_wait3A_95 : memref<128x128xf32, #tpu.memory_space<hbm>>)
    %dma_start3A_96 = arith.constant 6144 : i32
    %dma_start3A_97 = tpu.memref_slice %arg7[%dma_start3A_96] : memref<6400xi32, #tpu.memory_space<vmem>> -> memref<128xi32, #tpu.memory_space<vmem>>
    %dma_start3A_98 = arith.constant 0 : i32
    %dma_start3A_99 = arith.constant 0 : i32
    %dma_start3A_100 = tpu.memref_slice %arg4[%dma_start3A_98, %dma_start3A_99] : memref<100000x128xf32, #tpu.memory_space<hbm>> -> memref<100000x128xf32, #tpu.memory_space<hbm>>
    tpu.enqueue_indirect_dma source(%dma_start3A_100 : memref<100000x128xf32, #tpu.memory_space<hbm>>) target(%arg10 : memref<128x128xf32, #tpu.memory_space<vmem>>) offsets(%dma_start3A_97 : memref<128xi32, #tpu.memory_space<vmem>>) semaphore(%arg16 : memref<!tpu.dma_semaphore, #tpu.memory_space<semaphore_mem>>)
    %dma_wait3A_101 = arith.constant 0 : i32
    %dma_wait3A_102 = arith.constant 0 : i32
    %dma_wait3A_103 = tpu.memref_slice %arg4[%dma_wait3A_101, %dma_wait3A_102] : memref<100000x128xf32, #tpu.memory_space<hbm>> -> memref<128x128xf32, #tpu.memory_space<hbm>>
    %dma_wait3A_104 = arith.constant 0 : i32
    %dma_wait3A_105 = arith.constant 0 : i32
    %dma_wait3A_106 = tpu.memref_slice %arg4[%dma_wait3A_104, %dma_wait3A_105] : memref<100000x128xf32, #tpu.memory_space<hbm>> -> memref<128x128xf32, #tpu.memory_space<hbm>>
    tpu.wait_dma2 semaphore(%arg18 : memref<!tpu.dma_semaphore, #tpu.memory_space<semaphore_mem>>) src(%dma_wait3A_106 : memref<128x128xf32, #tpu.memory_space<hbm>>) dst(%arg12 : memref<128x128xf32, #tpu.memory_space<vmem>>)
    %dma_start3A_107 = arith.constant 5632 : i32
    %dma_start3A_108 = tpu.memref_slice %arg8[%dma_start3A_107] : memref<6400xi32, #tpu.memory_space<vmem>> -> memref<128xi32, #tpu.memory_space<vmem>>
    %dma_start3A_109 = arith.constant 0 : i32
    %dma_start3A_110 = arith.constant 0 : i32
    %dma_start3A_111 = tpu.memref_slice %arg9[%dma_start3A_109, %dma_start3A_110] : memref<600x128xf32, #tpu.memory_space<vmem_shared>> -> memref<600x128xf32, #tpu.memory_space<vmem_shared>>
    tpu.enqueue_indirect_dma source(%dma_start3A_111 : memref<600x128xf32, #tpu.memory_space<vmem_shared>>) target(%arg12 : memref<128x128xf32, #tpu.memory_space<vmem>>) offsets(%dma_start3A_108 : memref<128xi32, #tpu.memory_space<vmem>>) semaphore(%arg24 : memref<!tpu.dma_semaphore, #tpu.memory_space<semaphore_mem>>) {add = true}
    %dma_wait3A_112 = arith.constant 0 : i32
    %dma_wait3A_113 = arith.constant 0 : i32
    %dma_wait3A_114 = tpu.memref_slice %arg5[%dma_wait3A_112, %dma_wait3A_113] : memref<600x128xf32, #tpu.memory_space<hbm>> -> memref<128x128xf32, #tpu.memory_space<hbm>>
    %dma_wait3A_115 = arith.constant 0 : i32
    %dma_wait3A_116 = arith.constant 0 : i32
    %dma_wait3A_117 = tpu.memref_slice %arg5[%dma_wait3A_115, %dma_wait3A_116] : memref<600x128xf32, #tpu.memory_space<hbm>> -> memref<128x128xf32, #tpu.memory_space<hbm>>
    tpu.wait_dma2 semaphore(%arg24 : memref<!tpu.dma_semaphore, #tpu.memory_space<semaphore_mem>>) src(%dma_wait3A_117 : memref<128x128xf32, #tpu.memory_space<hbm>>) dst(%arg12 : memref<128x128xf32, #tpu.memory_space<vmem>>)
    %add3A_118 = arith.constant 5632 : i32
    %add3A_119 = arith.addi %mul3A_2, %add3A_118 : i32
    %dma_start3A_120 = arith.constant 0 : i32
    %dma_start3A_121 = tpu.memref_slice %arg6[%add3A_119, %dma_start3A_120] : memref<204800x128xf32, #tpu.memory_space<hbm>> -> memref<128x128xf32, #tpu.memory_space<hbm>>
    %dma_start3A_122 = arith.constant 0 : i32
    %dma_start3A_123 = tpu.memref_slice %arg6[%add3A_119, %dma_start3A_122] : memref<204800x128xf32, #tpu.memory_space<hbm>> -> memref<128x128xf32, #tpu.memory_space<hbm>>
    tpu.enqueue_dma source(%arg12 : memref<128x128xf32, #tpu.memory_space<vmem>>) target(%dma_start3A_123 : memref<128x128xf32, #tpu.memory_space<hbm>>) target_semaphore(%arg30 : memref<!tpu.dma_semaphore, #tpu.memory_space<semaphore_mem>>)
    %dma_wait3A_124 = arith.constant 0 : i32
    %dma_wait3A_125 = arith.constant 0 : i32
    %dma_wait3A_126 = tpu.memref_slice %arg6[%dma_wait3A_124, %dma_wait3A_125] : memref<204800x128xf32, #tpu.memory_space<hbm>> -> memref<128x128xf32, #tpu.memory_space<hbm>>
    %dma_wait3A_127 = arith.constant 0 : i32
    %dma_wait3A_128 = arith.constant 0 : i32
    %dma_wait3A_129 = tpu.memref_slice %arg6[%dma_wait3A_127, %dma_wait3A_128] : memref<204800x128xf32, #tpu.memory_space<hbm>> -> memref<128x128xf32, #tpu.memory_space<hbm>>
    tpu.wait_dma2 semaphore(%arg29 : memref<!tpu.dma_semaphore, #tpu.memory_space<semaphore_mem>>) src(%arg11 : memref<128x128xf32, #tpu.memory_space<vmem>>) dst(%dma_wait3A_129 : memref<128x128xf32, #tpu.memory_space<hbm>>)
    %dma_start3A_130 = arith.constant 6272 : i32
    %dma_start3A_131 = tpu.memref_slice %arg7[%dma_start3A_130] : memref<6400xi32, #tpu.memory_space<vmem>> -> memref<128xi32, #tpu.memory_space<vmem>>
    %dma_start3A_132 = arith.constant 0 : i32
    %dma_start3A_133 = arith.constant 0 : i32
    %dma_start3A_134 = tpu.memref_slice %arg4[%dma_start3A_132, %dma_start3A_133] : memref<100000x128xf32, #tpu.memory_space<hbm>> -> memref<100000x128xf32, #tpu.memory_space<hbm>>
    tpu.enqueue_indirect_dma source(%dma_start3A_134 : memref<100000x128xf32, #tpu.memory_space<hbm>>) target(%arg11 : memref<128x128xf32, #tpu.memory_space<vmem>>) offsets(%dma_start3A_131 : memref<128xi32, #tpu.memory_space<vmem>>) semaphore(%arg17 : memref<!tpu.dma_semaphore, #tpu.memory_space<semaphore_mem>>)
    %dma_wait3A_135 = arith.constant 0 : i32
    %dma_wait3A_136 = arith.constant 0 : i32
    %dma_wait3A_137 = tpu.memref_slice %arg4[%dma_wait3A_135, %dma_wait3A_136] : memref<100000x128xf32, #tpu.memory_space<hbm>> -> memref<128x128xf32, #tpu.memory_space<hbm>>
    %dma_wait3A_138 = arith.constant 0 : i32
    %dma_wait3A_139 = arith.constant 0 : i32
    %dma_wait3A_140 = tpu.memref_slice %arg4[%dma_wait3A_138, %dma_wait3A_139] : memref<100000x128xf32, #tpu.memory_space<hbm>> -> memref<128x128xf32, #tpu.memory_space<hbm>>
    tpu.wait_dma2 semaphore(%arg19 : memref<!tpu.dma_semaphore, #tpu.memory_space<semaphore_mem>>) src(%dma_wait3A_140 : memref<128x128xf32, #tpu.memory_space<hbm>>) dst(%arg13 : memref<128x128xf32, #tpu.memory_space<vmem>>)
    %dma_start3A_141 = arith.constant 5760 : i32
    %dma_start3A_142 = tpu.memref_slice %arg8[%dma_start3A_141] : memref<6400xi32, #tpu.memory_space<vmem>> -> memref<128xi32, #tpu.memory_space<vmem>>
    %dma_start3A_143 = arith.constant 0 : i32
    %dma_start3A_144 = arith.constant 0 : i32
    %dma_start3A_145 = tpu.memref_slice %arg9[%dma_start3A_143, %dma_start3A_144] : memref<600x128xf32, #tpu.memory_space<vmem_shared>> -> memref<600x128xf32, #tpu.memory_space<vmem_shared>>
    tpu.enqueue_indirect_dma source(%dma_start3A_145 : memref<600x128xf32, #tpu.memory_space<vmem_shared>>) target(%arg13 : memref<128x128xf32, #tpu.memory_space<vmem>>) offsets(%dma_start3A_142 : memref<128xi32, #tpu.memory_space<vmem>>) semaphore(%arg25 : memref<!tpu.dma_semaphore, #tpu.memory_space<semaphore_mem>>) {add = true}
    %dma_wait3A_146 = arith.constant 0 : i32
    %dma_wait3A_147 = arith.constant 0 : i32
    %dma_wait3A_148 = tpu.memref_slice %arg5[%dma_wait3A_146, %dma_wait3A_147] : memref<600x128xf32, #tpu.memory_space<hbm>> -> memref<128x128xf32, #tpu.memory_space<hbm>>
    %dma_wait3A_149 = arith.constant 0 : i32
    %dma_wait3A_150 = arith.constant 0 : i32
    %dma_wait3A_151 = tpu.memref_slice %arg5[%dma_wait3A_149, %dma_wait3A_150] : memref<600x128xf32, #tpu.memory_space<hbm>> -> memref<128x128xf32, #tpu.memory_space<hbm>>
    tpu.wait_dma2 semaphore(%arg25 : memref<!tpu.dma_semaphore, #tpu.memory_space<semaphore_mem>>) src(%dma_wait3A_151 : memref<128x128xf32, #tpu.memory_space<hbm>>) dst(%arg13 : memref<128x128xf32, #tpu.memory_space<vmem>>)
    %add3A_152 = arith.constant 5760 : i32
    %add3A_153 = arith.addi %mul3A_2, %add3A_152 : i32
    %dma_start3A_154 = arith.constant 0 : i32
    %dma_start3A_155 = tpu.memref_slice %arg6[%add3A_153, %dma_start3A_154] : memref<204800x128xf32, #tpu.memory_space<hbm>> -> memref<128x128xf32, #tpu.memory_space<hbm>>
    %dma_start3A_156 = arith.constant 0 : i32
    %dma_start3A_157 = tpu.memref_slice %arg6[%add3A_153, %dma_start3A_156] : memref<204800x128xf32, #tpu.memory_space<hbm>> -> memref<128x128xf32, #tpu.memory_space<hbm>>
    tpu.enqueue_dma source(%arg13 : memref<128x128xf32, #tpu.memory_space<vmem>>) target(%dma_start3A_157 : memref<128x128xf32, #tpu.memory_space<hbm>>) target_semaphore(%arg31 : memref<!tpu.dma_semaphore, #tpu.memory_space<semaphore_mem>>)
    %dma_wait3A_158 = arith.constant 0 : i32
    %dma_wait3A_159 = arith.constant 0 : i32
    %dma_wait3A_160 = tpu.memref_slice %arg4[%dma_wait3A_158, %dma_wait3A_159] : memref<100000x128xf32, #tpu.memory_space<hbm>> -> memref<128x128xf32, #tpu.memory_space<hbm>>
    %dma_wait3A_161 = arith.constant 0 : i32
    %dma_wait3A_162 = arith.constant 0 : i32
    %dma_wait3A_163 = tpu.memref_slice %arg4[%dma_wait3A_161, %dma_wait3A_162] : memref<100000x128xf32, #tpu.memory_space<hbm>> -> memref<128x128xf32, #tpu.memory_space<hbm>>
    tpu.wait_dma2 semaphore(%arg20 : memref<!tpu.dma_semaphore, #tpu.memory_space<semaphore_mem>>) src(%dma_wait3A_163 : memref<128x128xf32, #tpu.memory_space<hbm>>) dst(%arg14 : memref<128x128xf32, #tpu.memory_space<vmem>>)
    %dma_start3A_164 = arith.constant 5888 : i32
    %dma_start3A_165 = tpu.memref_slice %arg8[%dma_start3A_164] : memref<6400xi32, #tpu.memory_space<vmem>> -> memref<128xi32, #tpu.memory_space<vmem>>
    %dma_start3A_166 = arith.constant 0 : i32
    %dma_start3A_167 = arith.constant 0 : i32
    %dma_start3A_168 = tpu.memref_slice %arg9[%dma_start3A_166, %dma_start3A_167] : memref<600x128xf32, #tpu.memory_space<vmem_shared>> -> memref<600x128xf32, #tpu.memory_space<vmem_shared>>
    tpu.enqueue_indirect_dma source(%dma_start3A_168 : memref<600x128xf32, #tpu.memory_space<vmem_shared>>) target(%arg14 : memref<128x128xf32, #tpu.memory_space<vmem>>) offsets(%dma_start3A_165 : memref<128xi32, #tpu.memory_space<vmem>>) semaphore(%arg26 : memref<!tpu.dma_semaphore, #tpu.memory_space<semaphore_mem>>) {add = true}
    %dma_wait3A_169 = arith.constant 0 : i32
    %dma_wait3A_170 = arith.constant 0 : i32
    %dma_wait3A_171 = tpu.memref_slice %arg5[%dma_wait3A_169, %dma_wait3A_170] : memref<600x128xf32, #tpu.memory_space<hbm>> -> memref<128x128xf32, #tpu.memory_space<hbm>>
    %dma_wait3A_172 = arith.constant 0 : i32
    %dma_wait3A_173 = arith.constant 0 : i32
    %dma_wait3A_174 = tpu.memref_slice %arg5[%dma_wait3A_172, %dma_wait3A_173] : memref<600x128xf32, #tpu.memory_space<hbm>> -> memref<128x128xf32, #tpu.memory_space<hbm>>
    tpu.wait_dma2 semaphore(%arg26 : memref<!tpu.dma_semaphore, #tpu.memory_space<semaphore_mem>>) src(%dma_wait3A_174 : memref<128x128xf32, #tpu.memory_space<hbm>>) dst(%arg14 : memref<128x128xf32, #tpu.memory_space<vmem>>)
    %add3A_175 = arith.constant 5888 : i32
    %add3A_176 = arith.addi %mul3A_2, %add3A_175 : i32
    %dma_start3A_177 = arith.constant 0 : i32
    %dma_start3A_178 = tpu.memref_slice %arg6[%add3A_176, %dma_start3A_177] : memref<204800x128xf32, #tpu.memory_space<hbm>> -> memref<128x128xf32, #tpu.memory_space<hbm>>
    %dma_start3A_179 = arith.constant 0 : i32
    %dma_start3A_180 = tpu.memref_slice %arg6[%add3A_176, %dma_start3A_179] : memref<204800x128xf32, #tpu.memory_space<hbm>> -> memref<128x128xf32, #tpu.memory_space<hbm>>
    tpu.enqueue_dma source(%arg14 : memref<128x128xf32, #tpu.memory_space<vmem>>) target(%dma_start3A_180 : memref<128x128xf32, #tpu.memory_space<hbm>>) target_semaphore(%arg32 : memref<!tpu.dma_semaphore, #tpu.memory_space<semaphore_mem>>)
    %dma_wait3A_181 = arith.constant 0 : i32
    %dma_wait3A_182 = arith.constant 0 : i32
    %dma_wait3A_183 = tpu.memref_slice %arg4[%dma_wait3A_181, %dma_wait3A_182] : memref<100000x128xf32, #tpu.memory_space<hbm>> -> memref<128x128xf32, #tpu.memory_space<hbm>>
    %dma_wait3A_184 = arith.constant 0 : i32
    %dma_wait3A_185 = arith.constant 0 : i32
    %dma_wait3A_186 = tpu.memref_slice %arg4[%dma_wait3A_184, %dma_wait3A_185] : memref<100000x128xf32, #tpu.memory_space<hbm>> -> memref<128x128xf32, #tpu.memory_space<hbm>>
    tpu.wait_dma2 semaphore(%arg21 : memref<!tpu.dma_semaphore, #tpu.memory_space<semaphore_mem>>) src(%dma_wait3A_186 : memref<128x128xf32, #tpu.memory_space<hbm>>) dst(%arg15 : memref<128x128xf32, #tpu.memory_space<vmem>>)
    %dma_start3A_187 = arith.constant 6016 : i32
    %dma_start3A_188 = tpu.memref_slice %arg8[%dma_start3A_187] : memref<6400xi32, #tpu.memory_space<vmem>> -> memref<128xi32, #tpu.memory_space<vmem>>
    %dma_start3A_189 = arith.constant 0 : i32
    %dma_start3A_190 = arith.constant 0 : i32
    %dma_start3A_191 = tpu.memref_slice %arg9[%dma_start3A_189, %dma_start3A_190] : memref<600x128xf32, #tpu.memory_space<vmem_shared>> -> memref<600x128xf32, #tpu.memory_space<vmem_shared>>
    tpu.enqueue_indirect_dma source(%dma_start3A_191 : memref<600x128xf32, #tpu.memory_space<vmem_shared>>) target(%arg15 : memref<128x128xf32, #tpu.memory_space<vmem>>) offsets(%dma_start3A_188 : memref<128xi32, #tpu.memory_space<vmem>>) semaphore(%arg27 : memref<!tpu.dma_semaphore, #tpu.memory_space<semaphore_mem>>) {add = true}
    %dma_wait3A_192 = arith.constant 0 : i32
    %dma_wait3A_193 = arith.constant 0 : i32
    %dma_wait3A_194 = tpu.memref_slice %arg5[%dma_wait3A_192, %dma_wait3A_193] : memref<600x128xf32, #tpu.memory_space<hbm>> -> memref<128x128xf32, #tpu.memory_space<hbm>>
    %dma_wait3A_195 = arith.constant 0 : i32
    %dma_wait3A_196 = arith.constant 0 : i32
    %dma_wait3A_197 = tpu.memref_slice %arg5[%dma_wait3A_195, %dma_wait3A_196] : memref<600x128xf32, #tpu.memory_space<hbm>> -> memref<128x128xf32, #tpu.memory_space<hbm>>
    tpu.wait_dma2 semaphore(%arg27 : memref<!tpu.dma_semaphore, #tpu.memory_space<semaphore_mem>>) src(%dma_wait3A_197 : memref<128x128xf32, #tpu.memory_space<hbm>>) dst(%arg15 : memref<128x128xf32, #tpu.memory_space<vmem>>)
    %add3A_198 = arith.constant 6016 : i32
    %add3A_199 = arith.addi %mul3A_2, %add3A_198 : i32
    %dma_start3A_200 = arith.constant 0 : i32
    %dma_start3A_201 = tpu.memref_slice %arg6[%add3A_199, %dma_start3A_200] : memref<204800x128xf32, #tpu.memory_space<hbm>> -> memref<128x128xf32, #tpu.memory_space<hbm>>
    %dma_start3A_202 = arith.constant 0 : i32
    %dma_start3A_203 = tpu.memref_slice %arg6[%add3A_199, %dma_start3A_202] : memref<204800x128xf32, #tpu.memory_space<hbm>> -> memref<128x128xf32, #tpu.memory_space<hbm>>
    tpu.enqueue_dma source(%arg15 : memref<128x128xf32, #tpu.memory_space<vmem>>) target(%dma_start3A_203 : memref<128x128xf32, #tpu.memory_space<hbm>>) target_semaphore(%arg33 : memref<!tpu.dma_semaphore, #tpu.memory_space<semaphore_mem>>)
    %dma_wait3A_204 = arith.constant 0 : i32
    %dma_wait3A_205 = arith.constant 0 : i32
    %dma_wait3A_206 = tpu.memref_slice %arg4[%dma_wait3A_204, %dma_wait3A_205] : memref<100000x128xf32, #tpu.memory_space<hbm>> -> memref<128x128xf32, #tpu.memory_space<hbm>>
    %dma_wait3A_207 = arith.constant 0 : i32
    %dma_wait3A_208 = arith.constant 0 : i32
    %dma_wait3A_209 = tpu.memref_slice %arg4[%dma_wait3A_207, %dma_wait3A_208] : memref<100000x128xf32, #tpu.memory_space<hbm>> -> memref<128x128xf32, #tpu.memory_space<hbm>>
    tpu.wait_dma2 semaphore(%arg16 : memref<!tpu.dma_semaphore, #tpu.memory_space<semaphore_mem>>) src(%dma_wait3A_209 : memref<128x128xf32, #tpu.memory_space<hbm>>) dst(%arg10 : memref<128x128xf32, #tpu.memory_space<vmem>>)
    %dma_start3A_210 = arith.constant 6144 : i32
    %dma_start3A_211 = tpu.memref_slice %arg8[%dma_start3A_210] : memref<6400xi32, #tpu.memory_space<vmem>> -> memref<128xi32, #tpu.memory_space<vmem>>
    %dma_start3A_212 = arith.constant 0 : i32
    %dma_start3A_213 = arith.constant 0 : i32
    %dma_start3A_214 = tpu.memref_slice %arg9[%dma_start3A_212, %dma_start3A_213] : memref<600x128xf32, #tpu.memory_space<vmem_shared>> -> memref<600x128xf32, #tpu.memory_space<vmem_shared>>
    tpu.enqueue_indirect_dma source(%dma_start3A_214 : memref<600x128xf32, #tpu.memory_space<vmem_shared>>) target(%arg10 : memref<128x128xf32, #tpu.memory_space<vmem>>) offsets(%dma_start3A_211 : memref<128xi32, #tpu.memory_space<vmem>>) semaphore(%arg22 : memref<!tpu.dma_semaphore, #tpu.memory_space<semaphore_mem>>) {add = true}
    %dma_wait3A_215 = arith.constant 0 : i32
    %dma_wait3A_216 = arith.constant 0 : i32
    %dma_wait3A_217 = tpu.memref_slice %arg5[%dma_wait3A_215, %dma_wait3A_216] : memref<600x128xf32, #tpu.memory_space<hbm>> -> memref<128x128xf32, #tpu.memory_space<hbm>>
    %dma_wait3A_218 = arith.constant 0 : i32
    %dma_wait3A_219 = arith.constant 0 : i32
    %dma_wait3A_220 = tpu.memref_slice %arg5[%dma_wait3A_218, %dma_wait3A_219] : memref<600x128xf32, #tpu.memory_space<hbm>> -> memref<128x128xf32, #tpu.memory_space<hbm>>
    tpu.wait_dma2 semaphore(%arg22 : memref<!tpu.dma_semaphore, #tpu.memory_space<semaphore_mem>>) src(%dma_wait3A_220 : memref<128x128xf32, #tpu.memory_space<hbm>>) dst(%arg10 : memref<128x128xf32, #tpu.memory_space<vmem>>)
    %add3A_221 = arith.constant 6144 : i32
    %add3A_222 = arith.addi %mul3A_2, %add3A_221 : i32
    %dma_start3A_223 = arith.constant 0 : i32
    %dma_start3A_224 = tpu.memref_slice %arg6[%add3A_222, %dma_start3A_223] : memref<204800x128xf32, #tpu.memory_space<hbm>> -> memref<128x128xf32, #tpu.memory_space<hbm>>
    %dma_start3A_225 = arith.constant 0 : i32
    %dma_start3A_226 = tpu.memref_slice %arg6[%add3A_222, %dma_start3A_225] : memref<204800x128xf32, #tpu.memory_space<hbm>> -> memref<128x128xf32, #tpu.memory_space<hbm>>
    tpu.enqueue_dma source(%arg10 : memref<128x128xf32, #tpu.memory_space<vmem>>) target(%dma_start3A_226 : memref<128x128xf32, #tpu.memory_space<hbm>>) target_semaphore(%arg28 : memref<!tpu.dma_semaphore, #tpu.memory_space<semaphore_mem>>)
    %dma_wait3A_227 = arith.constant 0 : i32
    %dma_wait3A_228 = arith.constant 0 : i32
    %dma_wait3A_229 = tpu.memref_slice %arg4[%dma_wait3A_227, %dma_wait3A_228] : memref<100000x128xf32, #tpu.memory_space<hbm>> -> memref<128x128xf32, #tpu.memory_space<hbm>>
    %dma_wait3A_230 = arith.constant 0 : i32
    %dma_wait3A_231 = arith.constant 0 : i32
    %dma_wait3A_232 = tpu.memref_slice %arg4[%dma_wait3A_230, %dma_wait3A_231] : memref<100000x128xf32, #tpu.memory_space<hbm>> -> memref<128x128xf32, #tpu.memory_space<hbm>>
    tpu.wait_dma2 semaphore(%arg17 : memref<!tpu.dma_semaphore, #tpu.memory_space<semaphore_mem>>) src(%dma_wait3A_232 : memref<128x128xf32, #tpu.memory_space<hbm>>) dst(%arg11 : memref<128x128xf32, #tpu.memory_space<vmem>>)
    %dma_start3A_233 = arith.constant 6272 : i32
    %dma_start3A_234 = tpu.memref_slice %arg8[%dma_start3A_233] : memref<6400xi32, #tpu.memory_space<vmem>> -> memref<128xi32, #tpu.memory_space<vmem>>
    %dma_start3A_235 = arith.constant 0 : i32
    %dma_start3A_236 = arith.constant 0 : i32
    %dma_start3A_237 = tpu.memref_slice %arg9[%dma_start3A_235, %dma_start3A_236] : memref<600x128xf32, #tpu.memory_space<vmem_shared>> -> memref<600x128xf32, #tpu.memory_space<vmem_shared>>
    tpu.enqueue_indirect_dma source(%dma_start3A_237 : memref<600x128xf32, #tpu.memory_space<vmem_shared>>) target(%arg11 : memref<128x128xf32, #tpu.memory_space<vmem>>) offsets(%dma_start3A_234 : memref<128xi32, #tpu.memory_space<vmem>>) semaphore(%arg23 : memref<!tpu.dma_semaphore, #tpu.memory_space<semaphore_mem>>) {add = true}
    %dma_wait3A_238 = arith.constant 0 : i32
    %dma_wait3A_239 = arith.constant 0 : i32
    %dma_wait3A_240 = tpu.memref_slice %arg5[%dma_wait3A_238, %dma_wait3A_239] : memref<600x128xf32, #tpu.memory_space<hbm>> -> memref<128x128xf32, #tpu.memory_space<hbm>>
    %dma_wait3A_241 = arith.constant 0 : i32
    %dma_wait3A_242 = arith.constant 0 : i32
    %dma_wait3A_243 = tpu.memref_slice %arg5[%dma_wait3A_241, %dma_wait3A_242] : memref<600x128xf32, #tpu.memory_space<hbm>> -> memref<128x128xf32, #tpu.memory_space<hbm>>
    tpu.wait_dma2 semaphore(%arg23 : memref<!tpu.dma_semaphore, #tpu.memory_space<semaphore_mem>>) src(%dma_wait3A_243 : memref<128x128xf32, #tpu.memory_space<hbm>>) dst(%arg11 : memref<128x128xf32, #tpu.memory_space<vmem>>)
    %add3A_244 = arith.constant 6272 : i32
    %add3A_245 = arith.addi %mul3A_2, %add3A_244 : i32
    %dma_start3A_246 = arith.constant 0 : i32
    %dma_start3A_247 = tpu.memref_slice %arg6[%add3A_245, %dma_start3A_246] : memref<204800x128xf32, #tpu.memory_space<hbm>> -> memref<128x128xf32, #tpu.memory_space<hbm>>
    %dma_start3A_248 = arith.constant 0 : i32
    %dma_start3A_249 = tpu.memref_slice %arg6[%add3A_245, %dma_start3A_248] : memref<204800x128xf32, #tpu.memory_space<hbm>> -> memref<128x128xf32, #tpu.memory_space<hbm>>
    tpu.enqueue_dma source(%arg11 : memref<128x128xf32, #tpu.memory_space<vmem>>) target(%dma_start3A_249 : memref<128x128xf32, #tpu.memory_space<hbm>>) target_semaphore(%arg29 : memref<!tpu.dma_semaphore, #tpu.memory_space<semaphore_mem>>)
    %dma_wait3A_250 = arith.constant 0 : i32
    %dma_wait3A_251 = arith.constant 0 : i32
    %dma_wait3A_252 = tpu.memref_slice %arg6[%dma_wait3A_250, %dma_wait3A_251] : memref<204800x128xf32, #tpu.memory_space<hbm>> -> memref<128x128xf32, #tpu.memory_space<hbm>>
    %dma_wait3A_253 = arith.constant 0 : i32
    %dma_wait3A_254 = arith.constant 0 : i32
    %dma_wait3A_255 = tpu.memref_slice %arg6[%dma_wait3A_253, %dma_wait3A_254] : memref<204800x128xf32, #tpu.memory_space<hbm>> -> memref<128x128xf32, #tpu.memory_space<hbm>>
    tpu.wait_dma2 semaphore(%arg30 : memref<!tpu.dma_semaphore, #tpu.memory_space<semaphore_mem>>) src(%arg12 : memref<128x128xf32, #tpu.memory_space<vmem>>) dst(%dma_wait3A_255 : memref<128x128xf32, #tpu.memory_space<hbm>>)
    %dma_wait3A_256 = arith.constant 0 : i32
    %dma_wait3A_257 = arith.constant 0 : i32
    %dma_wait3A_258 = tpu.memref_slice %arg6[%dma_wait3A_256, %dma_wait3A_257] : memref<204800x128xf32, #tpu.memory_space<hbm>> -> memref<128x128xf32, #tpu.memory_space<hbm>>
    %dma_wait3A_259 = arith.constant 0 : i32
    %dma_wait3A_260 = arith.constant 0 : i32
    %dma_wait3A_261 = tpu.memref_slice %arg6[%dma_wait3A_259, %dma_wait3A_260] : memref<204800x128xf32, #tpu.memory_space<hbm>> -> memref<128x128xf32, #tpu.memory_space<hbm>>
    tpu.wait_dma2 semaphore(%arg31 : memref<!tpu.dma_semaphore, #tpu.memory_space<semaphore_mem>>) src(%arg13 : memref<128x128xf32, #tpu.memory_space<vmem>>) dst(%dma_wait3A_261 : memref<128x128xf32, #tpu.memory_space<hbm>>)
    %dma_wait3A_262 = arith.constant 0 : i32
    %dma_wait3A_263 = arith.constant 0 : i32
    %dma_wait3A_264 = tpu.memref_slice %arg6[%dma_wait3A_262, %dma_wait3A_263] : memref<204800x128xf32, #tpu.memory_space<hbm>> -> memref<128x128xf32, #tpu.memory_space<hbm>>
    %dma_wait3A_265 = arith.constant 0 : i32
    %dma_wait3A_266 = arith.constant 0 : i32
    %dma_wait3A_267 = tpu.memref_slice %arg6[%dma_wait3A_265, %dma_wait3A_266] : memref<204800x128xf32, #tpu.memory_space<hbm>> -> memref<128x128xf32, #tpu.memory_space<hbm>>
    tpu.wait_dma2 semaphore(%arg32 : memref<!tpu.dma_semaphore, #tpu.memory_space<semaphore_mem>>) src(%arg14 : memref<128x128xf32, #tpu.memory_space<vmem>>) dst(%dma_wait3A_267 : memref<128x128xf32, #tpu.memory_space<hbm>>)
    %dma_wait3A_268 = arith.constant 0 : i32
    %dma_wait3A_269 = arith.constant 0 : i32
    %dma_wait3A_270 = tpu.memref_slice %arg6[%dma_wait3A_268, %dma_wait3A_269] : memref<204800x128xf32, #tpu.memory_space<hbm>> -> memref<128x128xf32, #tpu.memory_space<hbm>>
    %dma_wait3A_271 = arith.constant 0 : i32
    %dma_wait3A_272 = arith.constant 0 : i32
    %dma_wait3A_273 = tpu.memref_slice %arg6[%dma_wait3A_271, %dma_wait3A_272] : memref<204800x128xf32, #tpu.memory_space<hbm>> -> memref<128x128xf32, #tpu.memory_space<hbm>>
    tpu.wait_dma2 semaphore(%arg33 : memref<!tpu.dma_semaphore, #tpu.memory_space<semaphore_mem>>) src(%arg15 : memref<128x128xf32, #tpu.memory_space<vmem>>) dst(%dma_wait3A_273 : memref<128x128xf32, #tpu.memory_space<hbm>>)
    %dma_wait3A_274 = arith.constant 0 : i32
    %dma_wait3A_275 = arith.constant 0 : i32
    %dma_wait3A_276 = tpu.memref_slice %arg6[%dma_wait3A_274, %dma_wait3A_275] : memref<204800x128xf32, #tpu.memory_space<hbm>> -> memref<128x128xf32, #tpu.memory_space<hbm>>
    %dma_wait3A_277 = arith.constant 0 : i32
    %dma_wait3A_278 = arith.constant 0 : i32
    %dma_wait3A_279 = tpu.memref_slice %arg6[%dma_wait3A_277, %dma_wait3A_278] : memref<204800x128xf32, #tpu.memory_space<hbm>> -> memref<128x128xf32, #tpu.memory_space<hbm>>
    tpu.wait_dma2 semaphore(%arg28 : memref<!tpu.dma_semaphore, #tpu.memory_space<semaphore_mem>>) src(%arg10 : memref<128x128xf32, #tpu.memory_space<vmem>>) dst(%dma_wait3A_279 : memref<128x128xf32, #tpu.memory_space<hbm>>)
    %dma_wait3A_280 = arith.constant 0 : i32
    %dma_wait3A_281 = arith.constant 0 : i32
    %dma_wait3A_282 = tpu.memref_slice %arg6[%dma_wait3A_280, %dma_wait3A_281] : memref<204800x128xf32, #tpu.memory_space<hbm>> -> memref<128x128xf32, #tpu.memory_space<hbm>>
    %dma_wait3A_283 = arith.constant 0 : i32
    %dma_wait3A_284 = arith.constant 0 : i32
    %dma_wait3A_285 = tpu.memref_slice %arg6[%dma_wait3A_283, %dma_wait3A_284] : memref<204800x128xf32, #tpu.memory_space<hbm>> -> memref<128x128xf32, #tpu.memory_space<hbm>>
    tpu.wait_dma2 semaphore(%arg29 : memref<!tpu.dma_semaphore, #tpu.memory_space<semaphore_mem>>) src(%arg11 : memref<128x128xf32, #tpu.memory_space<vmem>>) dst(%dma_wait3A_285 : memref<128x128xf32, #tpu.memory_space<hbm>>)
    return
  }
}

module attributes {stable_mosaic.version = 14 : i64} {
  func.func @_segpos_tc_body(%arg0: memref<3x128xf32, #tpu.memory_space<vmem>>, %arg1: memref<200x128xf32, #tpu.memory_space<vmem>>, %arg2: memref<600x128xf32, #tpu.memory_space<vmem>>) attributes {dimension_semantics = [], scalar_prefetch = 0 : i64, scratch_operands = 0 : i64, tpu.core_type = #tpu.core_type<tc>} {
    %get3A = arith.constant 0 : index
    %get3A_0 = arith.constant 0 : index
    %get3A_1 = vector.load %arg1[%get3A, %get3A_0] : memref<200x128xf32, #tpu.memory_space<vmem>>, vector<200x128xf32>
    %get3A_2 = arith.constant 0 : index
    %get3A_3 = arith.constant 0 : index
    %get3A_4 = vector.load %arg0[%get3A_2, %get3A_3] : memref<3x128xf32, #tpu.memory_space<vmem>>, vector<1x128xf32>
    %add3A = vector.broadcast %get3A_4 : vector<1x128xf32> to vector<200x128xf32>
    %add3A_5 = arith.addf %get3A_1, %add3A : vector<200x128xf32>
    %swap3A = arith.constant 0 : index
    %swap3A_6 = arith.constant 0 : index
    %swap3A_7 = vector.load %arg2[%swap3A, %swap3A_6] : memref<600x128xf32, #tpu.memory_space<vmem>>, vector<200x128xf32>
    tpu.vector_store %arg2[%swap3A, %swap3A_6], %add3A_5 {strides = array<i32>} : memref<600x128xf32, #tpu.memory_space<vmem>>, vector<200x128xf32>,
    %get3A_8 = arith.constant 0 : index
    %get3A_9 = arith.constant 0 : index
    %get3A_10 = vector.load %arg1[%get3A_8, %get3A_9] : memref<200x128xf32, #tpu.memory_space<vmem>>, vector<200x128xf32>
    %get3A_11 = arith.constant 1 : index
    %get3A_12 = arith.constant 0 : index
    %get3A_13 = vector.load %arg0[%get3A_11, %get3A_12] : memref<3x128xf32, #tpu.memory_space<vmem>>, vector<1x128xf32>
    %add3A_14 = vector.broadcast %get3A_13 : vector<1x128xf32> to vector<200x128xf32>
    %add3A_15 = arith.addf %get3A_10, %add3A_14 : vector<200x128xf32>
    %swap3A_16 = arith.constant 200 : index
    %swap3A_17 = arith.constant 0 : index
    %swap3A_18 = vector.load %arg2[%swap3A_16, %swap3A_17] : memref<600x128xf32, #tpu.memory_space<vmem>>, vector<200x128xf32>
    tpu.vector_store %arg2[%swap3A_16, %swap3A_17], %add3A_15 {strides = array<i32>} : memref<600x128xf32, #tpu.memory_space<vmem>>, vector<200x128xf32>,
    %get3A_19 = arith.constant 0 : index
    %get3A_20 = arith.constant 0 : index
    %get3A_21 = vector.load %arg1[%get3A_19, %get3A_20] : memref<200x128xf32, #tpu.memory_space<vmem>>, vector<200x128xf32>
    %get3A_22 = arith.constant 2 : index
    %get3A_23 = arith.constant 0 : index
    %get3A_24 = vector.load %arg0[%get3A_22, %get3A_23] : memref<3x128xf32, #tpu.memory_space<vmem>>, vector<1x128xf32>
    %add3A_25 = vector.broadcast %get3A_24 : vector<1x128xf32> to vector<200x128xf32>
    %add3A_26 = arith.addf %get3A_21, %add3A_25 : vector<200x128xf32>
    %swap3A_27 = arith.constant 400 : index
    %swap3A_28 = arith.constant 0 : index
    %swap3A_29 = vector.load %arg2[%swap3A_27, %swap3A_28] : memref<600x128xf32, #tpu.memory_space<vmem>>, vector<200x128xf32>
    tpu.vector_store %arg2[%swap3A_27, %swap3A_28], %add3A_26 {strides = array<i32>} : memref<600x128xf32, #tpu.memory_space<vmem>>, vector<200x128xf32>,
    return
  }
}

</mosaic_0001>

<sc_bundles>
// kernel: kernel.4.cloned.1.call-start
scs
__scs_entry_jumppad:
0x0: {  	(pc) =	sbr.rel $0x88, $3  }
0x1: {  	(tag) =	ssettag $0x0;
	lr =	simm.s32 $0x1  }
0x2: {  	[smem:$0x3F9C] =	sst lr;
	_ =	strace $0xD0000000  }
0x3: {  	_ = 	snop  }
0x4: {  	_ = 	snop  }
0x5: {  	_ = 	snop  }
0x6: {  	_ = 	snop  }
0x7: {  	_ = 	snop  }
__scs_overlays_trampoline_lowered:
0x8: {  	[smem:$0x3FAB] =	sst s0  }
0x9: {  	[smem:$0x3FAC] =	sst s1  }
0xa: {  	[smem:$0x3FAD] =	sst s2  }
0xb: {  	[smem:$0x3FAE] =	sst s3  }
0xc: {  	[smem:$0x3FAF] =	sst s4  }
0xd: {  	[smem:$0x3FB0] =	sst s5  }
0xe: {  	[smem:$0x3FB1] =	sst s6  }
0xf: {  	[smem:$0x3FB2] =	sst s7  }
0x10: {  	[smem:$0x3FB3] =	sst s8  }
0x11: {  	[smem:$0x3FB4] =	sst s9;
	s0 =	simm.s32 @!p0 $0x0  }
0x12: {  	s1 =	sld [smem:$0x3F9A];
	s0 =	simm.s32 @p0 $0x1  }
0x13: {  	[smem:$0x3FB5] =	sst s0;
	s0 =	simm.s32 @!p1 $0x0  }
0x14: {  	s2 =	sld [smem:$0x3F99];
	s0 =	simm.s32 @p1 $0x1  }
0x15: {  	[smem:$0x3FB6] =	sst s0;
	s0 =	simm.s32 @!p2 $0x0  }
0x16: {  	s3 =	sld [smem:$0x3FDB];
	s0 =	simm.s32 @p2 $0x1  }
0x17: {  	s4 =	simm.s32 $0x1BF5;
	[smem:$0x3FB8] =	sst s0  }
0x18: {  	s0 =	sld [smem:$0x3F9B];
	_ =	swait.ge [sflag:s4], $0x0  }
0x19: {  	s7 =	sld [smem:$0x3F9C]  }
0x1a: {  	s8 =	sadd.s32 $0xFFFFE003, lr  }
0x1b: {  	s9 =	sadd.s32 $0xFFFFFEF7, lr;
	s5 =	simm.s32 $0xFFFFFFFF;
	p2 =	slt.u32 s8, $0xFFFFF086  }
0x1c: {  	p1 =	slt.u32 s9, $0xF7A;
	s5 =	simm.s32 @!p2 $0x0  }
0x1d: {  	s5 =	simm.s32 @p1 $0x1;
	p0 =	seq.s32 s7, s2  }
0x1e: {  	s7 =	smul.u32 @!p0 $0xF7A, s2;
	p2 =	seq.s32 @!p0 s5, $0x0  }
0x1f: {  	s9 =	smul.u32 $0xF7A, s1;
	s8 =	simm.s32 @!p0 $0x1BF5;
	p2 =	por !p2, p0  }
0x20: {  	[sflag:s8] =	ssyncset.s32 @!p0 $0xFFFFF086;
	s6 =	sadd.s32 @!p0 s3, s7;
	s7 =	simm.s32 @!p0 $0x108  }
0x21: {  	s3 =	sadd.s32 s3, s9;
	s6 =	sadd.s32 @!p0 $0x88, s6;
	s7 =	simm.s32 @p2 $0x1082  }
0x22: {  	[simem:s7], [sflag:s8] =	dma.local @!p0 [hbm:s6], $0xF7A  }
0x23: {  	s9 =	sor.u32 $0xD0000000, s2;
	s6 =	simm.s32 $0x108;
	_ =	swait.ge @!p0 [sflag:s8], $0x0  }
0x24: {  	s3 =	sadd.s32 $0x88, s3;
	s6 =	simm.s32 @!p1 $0x1082;
	[sflag:s4] =	ssyncset.s32 $0xFFFFF086  }
0x25: {  	[simem:s6], [sflag:s4] =	dma.local [hbm:s3], $0xF7A  }
0x26: {  	[smem:$0x3F9C] =	sst s1;
	(tag) =	ssettag s2;
	_ =	strace s9  }
0x27: {  	s1 =	sld [smem:$0x3FAC]  }
0x28: {  	s2 =	sld [smem:$0x3FAD]  }
0x29: {  	s4 =	sld [smem:$0x3FAF]  }
0x2a: {  	p0 =	seq.s32 s5, $0x0;
	s5 =	sld [smem:$0x3FB0]  }
0x2b: {  	s6 =	sld [smem:$0x3FB1]  }
0x2c: {  	s7 =	sld [smem:$0x3FB2]  }
0x2d: {  	s3 =	simm.s32 $0x108;
	s8 =	sld [smem:$0x3FB3]  }
0x2e: {  	s3 =	simm.s32 @!p0 $0x1082;
	s9 =	sld [smem:$0x3FB4]  }
0x2f: {  	lr =	sadd.s32 s0, s3;
	s0 =	sld [smem:$0x3FAB]  }
0x30: {  	s3 =	sld [smem:$0x3FAE]  }
0x31: {  	[smem:$0x3FB7] =	sst s10  }
0x32: {  	s10 =	sld [smem:$0x3FB5];
	_ =	sdelay $0x3  }
0x33: {  	p0 =	seq.s32 s10, $0x1;
	s10 =	sld [smem:$0x3FB7];
	_ =	sdelay $0x3  }
0x34: {  	[smem:$0x3FB7] =	sst s10  }
0x35: {  	s10 =	sld [smem:$0x3FB6];
	_ =	sdelay $0x3  }
0x36: {  	p1 =	seq.s32 s10, $0x1;
	s10 =	sld [smem:$0x3FB7];
	_ =	sdelay $0x3  }
0x37: {  	[smem:$0x3FB7] =	sst s10  }
0x38: {  	s10 =	sld [smem:$0x3FB8]  }
0x39: {  	_ = 	snop;
	(pc) =	sbr.ind lr, $3  }
0x3a: {  	_ = 	snop  }
0x3b: {  	_ = 	snop  }
0x3c: {  	p2 =	seq.s32 s10, $0x1;
	s10 =	sld [smem:$0x3FB7]  }
0x3d: {  	_ =	shalt  }
0x3e: {  	_ =	shalt  }
0x3f: {  	_ =	shalt  }
0x40: {  	_ =	shalt  }
0x41: {  	_ =	shalt  }
0x42: {  	_ =	shalt  }
0x43: {  	_ =	shalt  }
0x44: {  	_ =	shalt  }
0x45: {  	_ =	shalt  }
0x46: {  	_ =	shalt  }
0x47: {  	_ =	shalt  }
0x48: {  	_ =	shalt  }
0x49: {  	_ =	shalt  }
0x4a: {  	_ =	shalt  }
0x4b: {  	_ =	shalt  }
0x4c: {  	_ =	shalt  }
0x4d: {  	_ =	shalt  }
0x4e: {  	_ =	shalt  }
0x4f: {  	_ =	shalt  }
0x50: {  	_ =	shalt  }
0x51: {  	_ =	shalt  }
0x52: {  	_ =	shalt  }
0x53: {  	_ =	shalt  }
0x54: {  	_ =	shalt  }
0x55: {  	_ =	shalt  }
0x56: {  	_ =	shalt  }
0x57: {  	_ =	shalt  }
0x58: {  	_ =	shalt  }
0x59: {  	_ =	shalt  }
0x5a: {  	_ =	shalt  }
0x5b: {  	_ =	shalt  }
0x5c: {  	_ =	shalt  }
0x5d: {  	_ =	shalt  }
0x5e: {  	_ =	shalt  }
0x5f: {  	_ =	shalt  }
0x60: {  	_ =	shalt  }
0x61: {  	_ =	shalt  }
0x62: {  	_ =	shalt  }
0x63: {  	_ =	shalt  }
0x64: {  	_ =	shalt  }
0x65: {  	_ =	shalt  }
0x66: {  	_ =	shalt  }
0x67: {  	_ =	shalt  }
0x68: {  	_ =	shalt  }
0x69: {  	_ =	shalt  }
0x6a: {  	_ =	shalt  }
0x6b: {  	_ =	shalt  }
0x6c: {  	_ =	shalt  }
0x6d: {  	_ =	shalt  }
0x6e: {  	_ =	shalt  }
0x6f: {  	_ =	shalt  }
0x70: {  	_ =	shalt  }
0x71: {  	_ =	shalt  }
0x72: {  	_ =	shalt  }
0x73: {  	_ =	shalt  }
0x74: {  	_ =	shalt  }
0x75: {  	_ =	shalt  }
0x76: {  	_ =	shalt  }
0x77: {  	_ =	shalt  }
0x78: {  	_ =	shalt  }
0x79: {  	_ =	shalt  }
0x7a: {  	_ =	shalt  }
0x7b: {  	_ =	shalt  }
0x7c: {  	_ =	shalt  }
0x7d: {  	_ =	shalt  }
0x7e: {  	_ =	shalt  }
0x7f: {  	_ =	shalt  }
0x80: {  	_ =	shalt  }
0x81: {  	_ =	shalt  }
0x82: {  	_ =	shalt  }
0x83: {  	_ =	shalt  }
0x84: {  	_ =	shalt  }
0x85: {  	_ =	shalt  }
0x86: {  	_ =	shalt  }
0x87: {  	_ =	shalt  }
.Lfunc_end0:
.L_simem_size_0:
called_computation_lowered:
.L_overlay_start_0:
0x88: {  	s2 =	sld [smem:$0x3FD9]  }
0x89: {  	s3 =	sld [smem:$0x3FFE];
	_ =	sdelay $0x1  }
0x8a: {  	s1 =	srdreg.scid  }
0x8b: {  	s0 =	sand.u32 $0x1, s1  }
0x8c: {  	s17 =	sshll.u32 s0, $0xA;
	s2 =	sadd.s32 s3, s2  }
0x8d: {  	s2 =	sadd.s32 s2, s17  }
0x8e: {  	[smem:$0x3FC3] =	sst s2  }
0x8f: {  	_ = 	snop  }
0x90: {  	s2 =	sld [smem:$0x3FC7]  }
0x91: {  	s18 =	sld [smem:$0x3FD0];
	(tm) =	ssettm $0x1  }
0x92: {  	s4 =	sld [smem:$0x3FFB];
	_ =	sdelay $0x3  }
0x93: {  	_ =	strace s4  }
0x94: {  	s4 =	sld [smem:$0x3FFC];
	_ =	sdelay $0x3  }
0x95: {  	_ =	strace s4  }
0x96: {  	s4 =	sld [smem:$0x3FFD];
	_ =	sdelay $0x3  }
0x97: {  	_ =	strace s4  }
0x98: {  	_ =	strace $0x8FFFFFFF  }
0x99: {  	s19 =	sld [smem:$0x3FDB];
	_ =	sdelay $0x1  }
0x9a: {  	s5 =	simm.s32 $_scs_section_size  }
0x9b: {  	s6 =	simm.s32 $_size__tile_overlayer_lowered;
	s7 =	simm.s32 $_tile_overlayer_lowered  }
0x9c: {  	s22 =	simm.s32 $0x1BFF;
	s21 =	sshll.u32 s7, $0x1;
	s4 =	sadd.s32 s5, s19  }
0x9d: {  	s8 =	simm.s32 $0x0;
	s20 =	sshll.u32 s6, $0x1;
	s6 =	sadd.s32 s21, s4  }
0x9e: {  	[timem:s8], [sflag:s22] =	dma.local [hbm:s6], s20  }
0x9f: {  	_ =	swait.ge [sflag:s22], s20  }
0xa0: {  	s5 =	ssub.s32 $0x0, s20;
	[sflag:s22] =	ssyncset.done $0x0  }
0xa1: {  	[sflag:s22] =	ssyncadd.s32 s5;
	_ =	sdelay $0x1  }
0xa2: {  	s23 =	simm.s32 $0x1B8B  }
0xa3: {  	_ =	swait.ge [sflag:s23], $0x1  }
0xa4: {  	[sflag:s23] =	ssyncset.done $0x0  }
0xa5: {  	s25 =	simm.s32 $0x1B8E;
	s24 =	sld [smem:$0x3FFE];
	[sflag:s23] =	ssyncadd.s32 $0xFFFFFFFF  }
0xa6: {  	s26 =	simm.s32 $execute0_lowered;
	[smem:$0x3FD2] =	sst s25  }
0xa7: {  	s6 =	sshll.u32 s26, $0x1;
	_ =	strace $0x80000046;
	[dreg:$0x1] =	wrdreg $0xFFFFFFFF  }
0xa8: {  	s28 =	simm.s32 $_size_execute0_lowered;
	s4 =	sadd.s32 s4, s6;
	[dreg:$0x0] =	wrdreg $0x0  }
0xa9: {  	s6 =	sshll.u32 s28, $0x1;
	[dreg:$0x2] =	wrdreg s4  }
0xaa: {  	[dreg:$0x3] =	wrdreg s6  }
0xab: {  	[dreg:$0x4] =	wrdreg $0xC0  }
0xac: {  	_ =	task [dreg:s8], $0x5FFFF  }
0xad: {  	[dreg:$0x1] =	wrdreg $0xFFFFFFFF  }
0xae: {  	[dreg:$0x0] =	wrdreg $0x60  }
0xaf: {  	[dreg:$0x2] =	wrdreg s24  }
0xb0: {  	[dreg:$0x3] =	wrdreg s2  }
0xb1: {  	[dreg:$0x4] =	wrdreg s18  }
0xb2: {  	[dreg:$0x5] =	wrdreg $0x32000  }
0xb3: {  	[dreg:$0x6] =	wrdreg $0x9  }
0xb4: {  	_ =	task.clear_ibuf [dreg:s8], $0x7FFFF;
	_ =	strace $0x90000046  }
0xb5: {  	s29 =	simm.s32 $0x9;
	_ =	strace $0x80000048  }
0xb6: {  	_ =	swait.ge [sflag:s29], $0x1  }
0xb7: {  	[sflag:s29] =	ssyncadd.s32 $0xFFFFFFFF  }
0xb8: {  	_ =	strace $0x90000048  }
0xb9: {  	_ =	sfence  }
0xba: {  	s30 =	sld [smem:$0x0];
	_ =	sdelay $0x2  }
0xbb: {  	s31 =	sshll.u32 s1, $0xD;
	s1 =	sshrl.u32 s1, $0x2  }
0xbc: {  	s3 =	sand.u32 $0x4000, s31;
	s1 =	sadd.s32 s1, s30  }
0xbd: {  	s0 =	sor.u32 s3, s0;
	s1 =	sshll.u32 s1, $0x11  }
0xbe: {  	s0 =	sor.u32 s1, s0  }
0xbf: {  	s0 =	sadd.s32 $0x8F2B, s0  }
0xc0: {  	[sflag:s0] =	ssyncadd.remote.s32 $0x1  }
0xc1: {  	_ =	sfence.sel $0xFFFF  }
0xc2: {  	[dreg:$0x0] =	wrdreg $0xFFFFFFFF;
	(pc) =	sbr.abs _section_cstart, $3  }
0xc3: {  	[dreg:$0x1] =	wrdreg $0xFFFFFFFF  }
0xc4: {  	_ =	task.clear_ibuf [dreg:s8], $0x2FFFF;
	_ =	strace $0x9FFFFFFF  }
0xc5: {  	(tm) =	ssettm $0x7FFFFFFF  }
tec
execute0_lowered:
.L_overlay_start_1:
0x0: {  	(tag) =	ssettag $0x1  }
0x1: {  	s0 =	rddreg [dreg:$0x0]  }
0x2: {  	s1 =	rddreg [dreg:$0x1]  }
0x3: {  	s2 =	rddreg [dreg:$0x2]  }
0x4: {  	s4 =	srdreg.scid;
	s11 =	stileid.u32  }
0x5: {  	s3 =	rddreg [dreg:$0x3];
	s29 =	simm.s32 $0x1900;
	s16 =	smul.u32 $0x3200, s11  }
0x6: {  	s28 =	simm.s32 $0x1;
	s5 =	sand.u32 $0x1, s4;
	s21 =	smul.u32 $0x32000, s11  }
0x7: {  	s30 =	simm.s32 $0x8;
	s6 =	sshll.u32 s11, $0x1;
	s18 =	smul.u32 $0x1900, s5  }
0x8: {  	s6 =	sor.u32 s5, s6;
	s8 =	ssub.s32 $0x2, s5;
	s5 =	smul.u32 $0x19000, s5  }
0x9: {  	s31 =	simm.s32 $0x1;
	s4 =	simm.s32 $0x0;
	s7 =	smul.u32 $0x1900, s6  }
0xa: {  	s11 =	simm.s32 $0x5;
	[smem:$0x7FF] =	sst s4;
	s10 =	smul.u32 $0xC8000, s6  }
0xb: {  	_ =	strace $0x80000047;
	s9 =	sshrl.u32 s8, $0x1;
	s6 =	smul.u32 $0x19000, s6  }
0xc: {  	s12 =	ssub.s32 s8, s9;
	s25 =	sadd.s32 s18, s16;
	s18 =	simm.s32 $0x84C0  }
0xd: {  	s8 =	simm.s32 $0x4;
	s9 =	simm.s32 $0xA;
	s16 =	simm.s32 $0x12  }
0xe: {  	s7 =	sshrl.u32 s7, $0x3;
	s14 =	sshrl.u32 s10, $0x3;
	s6 =	sadd.s32 s2, s6  }
0xf: {  	[dreg:$0x11] =	wrdreg s25;
	s25 =	simm.s32 $0x44C0;
	s10 =	simm.s32 $0xF  }
0x10: {  	s7 =	sadd.s32 s7, s0;
	s0 =	sadd.s32 $0xD000, s0;
	[dreg:$0x8] =	wrdreg s6  }
0x11: {  	s15 =	sadd.s32 s2, s14;
	[dreg:$0x5] =	wrdreg s0;
	s13 =	sadd.s32 $0x800, s7  }
0x12: {  	s2 =	sadd.s32 s21, s2;
	s7 =	sadd.s32 $0x6C00, s7;
	[dreg:$0x6] =	wrdreg s13  }
0x13: {  	s21 =	simm.s32 $0x80;
	s17 =	sadd.s32 $0x15800, s15;
	[dreg:$0x7] =	wrdreg s7  }
0x14: {  	s6 =	simm.s32 $0x9;
	s19 =	sadd.s32 $0x16000, s15;
	[dreg:$0x9] =	wrdreg s17  }
0x15: {  	s14 =	simm.s32 $0xC;
	s20 =	sadd.s32 $0x16800, s15;
	[dreg:$0xa] =	wrdreg s19  }
0x16: {  	s22 =	sadd.s32 $0x17000, s15;
	s23 =	sadd.s32 $0x17800, s15;
	[dreg:$0xb] =	wrdreg s20  }
0x17: {  	s24 =	sadd.s32 $0x18000, s15;
	s0 =	smax.u32 s12, $0x1;
	[dreg:$0xc] =	wrdreg s22  }
0x18: {  	s26 =	sadd.s32 s5, s2;
	s2 =	simm.s32 $0x144C0;
	[dreg:$0xd] =	wrdreg s23  }
0x19: {  	s5 =	simm.s32 $0x3;
	s12 =	simm.s32 $0xB;
	[dreg:$0xe] =	wrdreg s24  }
0x1a: {  	s7 =	sadd.s32 $0x18800, s15;
	[dreg:$0x10] =	wrdreg s0;
	s0 =	sadd.s32 $0x1800, s26  }
0x1b: {  	s19 =	simm.s32 $0xC4C0;
	s23 =	simm.s32 $0x104C0;
	s24 =	simm.s32 $0x7  }
0x1c: {  	s26 =	simm.s32 $0x184C0;
	s13 =	simm.s32 $0x10;
	s20 =	simm.s32 $0x6  }
0x1d: {  	s15 =	simm.s32 $0x11;
	s22 =	simm.s32 $0x0;
	[dreg:$0xf] =	wrdreg s7  }
0x1e: {  	v0 =	vlaneseq.u32;
	[dreg:$0x12] =	wrdreg s0;
	s0 =	simm.s32 $0xD;
	s7 =	simm.s32 $0xE  }
.LBB2_1:
0x1f: {  	[dreg:$0x13] =	wrdreg s22  }
0x20: {  	s17 =	rddreg [dreg:$0x6];
	s22 =	simm.s32 $0x13  }
0x21: {  	[tilespmem:s4], [sflag:$0x13] =	stream.linear.gather [hbm4b:s17+s4], $0x1900, $0x38;
	[tilespmem:$0x1C4C0] =	vst v63  }
0x22: {  	_ =	swait.ge [sflag:s22], $0x1900  }
0x23: {  	[sflag:s22] =	ssyncset.done $0x0  }
0x24: {  	s17 =	rddreg [dreg:$0x7];
	[sflag:s22] =	ssyncadd.s32 $0xFFFFE700  }
0x25: {  	[tilespmem:s29], [sflag:$0x13] =	stream.linear.gather [hbm4b:s17+s4], $0x1900, $0x38;
	[tilespmem:$0x1C4C0] =	vst v63  }
0x26: {  	_ =	swait.ge [sflag:s22], $0x1900  }
0x27: {  	[sflag:s22] =	ssyncset.done $0x0  }
0x28: {  	[sflag:s22] =	ssyncadd.s32 $0xFFFFE700  }
0x29: {  	[tilespmem:s25], [sflag:$0x1] =	stream.indirect.gather [hbm4b:s1+s21], $0x80, s4, s21, $0xb8;
	[tilespmem:$0x1C4C0] =	vst v63  }
0x2a: {  	_ = 	snop  }
0x2b: {  	[tilespmem:s18], [sflag:$0x2] =	stream.indirect.gather [hbm4b:s1+s21], $0x80, s21, s21, $0xb8;
	[tilespmem:$0x1C4C0] =	vst v63  }
0x2c: {  	s18 =	simm.s32 $0x100  }
0x2d: {  	[tilespmem:s19], [sflag:$0x3] =	stream.indirect.gather [hbm4b:s1+s21], $0x80, s18, s21, $0xb8;
	[tilespmem:$0x1C4C0] =	vst v63  }
0x2e: {  	s19 =	simm.s32 $0x180  }
0x2f: {  	[tilespmem:s23], [sflag:$0x4] =	stream.indirect.gather [hbm4b:s1+s21], $0x80, s19, s21, $0xb8;
	[tilespmem:$0x1C4C0] =	vst v63  }
0x30: {  	s23 =	stileid.u32  }
0x31: {  	s17 =	sshll.u32 s23, $0x6  }
0x32: {  	s29 =	rddreg [dreg:$0x5];
	s25 =	sshrl.u32 s3, $0x3;
	s17 =	sor.u32 $0x1C13, s17  }
0x33: {  	[spmem:s25], [sflag:s17] =	dma.local [hbm:s29], $0x2580  }
0x34: {  	_ =	swait.ge [sflag:s22], $0x2580  }
0x35: {  	[sflag:s22] =	ssyncset.done $0x0  }
0x36: {  	s17 =	simm.s32 $0x1920;
	[sflag:s22] =	ssyncadd.s32 $0xFFFFDA80;
	s22 =	rddreg [dreg:$0x11]  }
0x37: {  	v2 =	vld [tilespmem:s17+$0xFFFFFFE0];
	v3 =	vor.u32 s22, v0;
	s23 =	sadd.s32 $0x20, s22  }
0x38: {  	v5 =	vld [tilespmem:s17+$0x0];
	s25 =	sadd.s32 $0x30, s22;
	v4 =	vmulhi.u32 $0x51EB851F, v3;
	v6 =	vor.u32 s23, v0  }
0x39: {  	s29 =	sadd.s32 $0x10, s22;
	v8 =	vld [tilespmem:s17+$0x10];
	v9 =	vor.u32 s25, v0;
	v7 =	vmulhi.u32 $0x51EB851F, v6  }
0x3a: {  	v1 =	vor.u32 s29, v0;
	v10 =	vmulhi.u32 $0x51EB851F, v9;
	v4 =	vshrl.u32 v4, $0x6  }
0x3b: {  	v11 =	vld [tilespmem:s17+$0xFFFFFFF0];
	v12 =	vmulhi.u32 $0x51EB851F, v1;
	v4 =	vmul.u32 $0xC8, v4;
	v7 =	vshrl.u32 v7, $0x6  }
0x3c: {  	v10 =	vshrl.u32 v10, $0x6;
	v2 =	vmul.u32 $0xC8, v2;
	v7 =	vmul.u32 $0xC8, v7  }
0x3d: {  	v3 =	vsub.s32 v3, v4;
	v4 =	vmul.u32 $0xC8, v5;
	v5 =	vmul.u32 $0xC8, v10  }
0x3e: {  	v2 =	vadd.s32 v3, v2;
	v3 =	vsub.s32 v6, v7;
	v6 =	vmul.u32 $0xC8, v8  }
0x3f: {  	[tilespmem:s17+$0xFFFFFFE0] =	vst v2;
	v2 =	vshrl.u32 v12, $0x6;
	v4 =	vadd.s32 v3, v4;
	v5 =	vsub.s32 v9, v5  }
0x40: {  	s18 =	simm.s32 $0x0;
	s19 =	sadd.s32 $0x40, s22;
	s22 =	simm.s32 $0x1960;
	v3 =	vmul.u32 $0xC8, v2;
	v2 =	vmul.u32 $0xC8, v11;
	[tilespmem:s17+$0x0] =	vst v4;
	v4 =	vadd.s32 v5, v6  }
.LBB2_2:
0x41: {  	v5 =	vld [tilespmem:s22+$0xFFFFFFE0];
	v6 =	vor.u32 s19, v0;
	s23 =	sadd.s32 $0x10, s19;
	s25 =	sadd.s32 $0x20, s19;
	[tilespmem:s17+$0x10] =	vst v4  }
0x42: {  	s18 =	sadd.s32 $0x4, s18;
	v4 =	vmulhi.u32 $0x51EB851F, v6;
	v7 =	vor.u32 s23, v0;
	v8 =	vld [tilespmem:s22+$0x0];
	v9 =	vor.u32 s25, v0;
	s23 =	sadd.s32 $0x30, s19  }
0x43: {  	p0 =	slt.u32 s18, $0x18C;
	v3 =	vsub.s32 v1, v3;
	v10 =	vmulhi.u32 $0x51EB851F, v9;
	v11 =	vld [tilespmem:s22+$0x10];
	v12 =	vor.u32 s23, v0;
	v1 =	vmovc v7  }
0x44: {  	v2 =	vadd.s32 v3, v2;
	v4 =	vshrl.u32 v4, $0x6;
	v7 =	vld [tilespmem:s22+$0xFFFFFFF0];
	v13 =	vmulhi.u32 $0x51EB851F, v12  }
0x45: {  	v3 =	vmul.u32 $0xC8, v4;
	v4 =	vmulhi.u32 $0x51EB851F, v1;
	v10 =	vshrl.u32 v10, $0x6;
	[tilespmem:s17+$0xFFFFFFF0] =	vst v2;
	s17 =	smov.u32 s22  }
.Ltmp0:
0x46: {  	v2 =	vmul.u32 $0xC8, v5;
	v5 =	vmul.u32 $0xC8, v10;
	v10 =	vshrl.u32 v13, $0x6;
	(pc) =	sbr.rel @p0 .LBB2_2-.Ltmp0, $4  }
0x47: {  	v3 =	vsub.s32 v6, v3;
	v6 =	vmul.u32 $0xC8, v8;
	v8 =	vmul.u32 $0xC8, v10  }
0x48: {  	v2 =	vadd.s32 v3, v2;
	v3 =	vsub.s32 v9, v5;
	v5 =	vmul.u32 $0xC8, v11  }
0x49: {  	[tilespmem:s22+$0xFFFFFFE0] =	vst v2;
	v2 =	vshrl.u32 v4, $0x6;
	v4 =	vadd.s32 v3, v6;
	v6 =	vsub.s32 v12, v8  }
0x4a: {  	s19 =	sadd.s32 $0x40, s19;
	s22 =	sadd.s32 $0x40, s22;
	v3 =	vmul.u32 $0xC8, v2;
	v2 =	vmul.u32 $0xC8, v7;
	[tilespmem:s17+$0x0] =	vst v4;
	v4 =	vadd.s32 v6, v5  }
0x4b: {  	_ = 	snop  }
0x4c: {  	v1 =	vsub.s32 v1, v3  }
0x4d: {  	[tilespmem:s17+$0x10] =	vst v4;
	v1 =	vadd.s32 v1, v2  }
0x4e: {  	[tilespmem:s17+$0xFFFFFFF0] =	vst v1  }
0x4f: {  	_ =	swait.ge [sflag:s28], $0x4000  }
0x50: {  	[sflag:s28] =	ssyncset.done $0x0  }
0x51: {  	s22 =	simm.s32 $0x1900;
	s25 =	simm.s32 $0x44C0;
	[sflag:s28] =	ssyncadd.s32 $0xFFFFC000  }
0x52: {  	[tilespmem:s25], [sflag:$0x7] =	stream.indirect.gather.add.f32 [spmem:s3], $0x80, s22, s21, $0xb8;
	[tilespmem:$0x1C4C0] =	vst v63  }
0x53: {  	s23 =	simm.s32 $0x200  }
0x54: {  	[tilespmem:s2], [sflag:$0x5] =	stream.indirect.gather [hbm4b:s1+s21], $0x80, s23, s21, $0xb8;
	[tilespmem:$0x1C4C0] =	vst v63  }
0x55: {  	_ =	swait.ge [sflag:s24], $0x4000  }
0x56: {  	s19 =	simm.s32 $0x2;
	[sflag:s24] =	ssyncset.done $0x0  }
0x57: {  	s2 =	simm.s32 $0x0;
	s18 =	rddreg [dreg:$0x8];
	[sflag:s24] =	ssyncadd.s32 $0xFFFFC000  }
0x58: {  	[hbm4b:s18+s2] =	stream.linear.scatter [tilespmem:s25], [sflag:$0xD], $0x4000, $0x38;
	[tilespmem:$0x1C4C0] =	vst v63  }
0x59: {  	_ =	swait.ge [sflag:s19], $0x4000  }
0x5a: {  	[sflag:s19] =	ssyncset.done $0x0  }
0x5b: {  	s23 =	simm.s32 $0x84C0;
	s18 =	simm.s32 $0x1980;
	[sflag:s19] =	ssyncadd.s32 $0xFFFFC000  }
0x5c: {  	[tilespmem:s23], [sflag:$0x8] =	stream.indirect.gather.add.f32 [spmem:s3], $0x80, s18, s21, $0xb8;
	[tilespmem:$0x1C4C0] =	vst v63  }
0x5d: {  	s22 =	simm.s32 $0x280  }
0x5e: {  	[tilespmem:s26], [sflag:$0x6] =	stream.indirect.gather [hbm4b:s1+s21], $0x80, s22, s21, $0xb8;
	[tilespmem:$0x1C4C0] =	vst v63  }
0x5f: {  	_ =	swait.ge [sflag:s30], $0x4000  }
0x60: {  	[sflag:s30] =	ssyncset.done $0x0;
	s18 =	rddreg [dreg:$0x12]  }
0x61: {  	[sflag:s30] =	ssyncadd.s32 $0xFFFFC000;
	s24 =	sadd.s32 $0xFFFFF000, s18  }
0x62: {  	[hbm4b:s24+s4] =	stream.linear.scatter [tilespmem:s23], [sflag:$0xE], $0x4000, $0x38;
	[tilespmem:$0x1C4C0] =	vst v63  }
0x63: {  	_ =	swait.ge [sflag:s0], $0x4000  }
0x64: {  	[sflag:s0] =	ssyncset.done $0x0  }
0x65: {  	s2 =	simm.s32 $0x300;
	[sflag:s0] =	ssyncadd.s32 $0xFFFFC000  }
0x66: {  	[tilespmem:s25], [sflag:$0x1] =	stream.indirect.gather [hbm4b:s1+s21], $0x80, s2, s21, $0xb8;
	[tilespmem:$0x1C4C0] =	vst v63  }
0x67: {  	_ =	swait.ge [sflag:s5], $0x4000  }
0x68: {  	[sflag:s5] =	ssyncset.done $0x0  }
0x69: {  	s28 =	simm.s32 $0xC4C0;
	s22 =	simm.s32 $0x1A00;
	[sflag:s5] =	ssyncadd.s32 $0xFFFFC000  }
0x6a: {  	[tilespmem:s28], [sflag:$0x9] =	stream.indirect.gather.add.f32 [spmem:s3], $0x80, s22, s21, $0xb8;
	[tilespmem:$0x1C4C0] =	vst v63  }
0x6b: {  	_ =	swait.ge [sflag:s6], $0x4000  }
0x6c: {  	[sflag:s6] =	ssyncset.done $0x0  }
0x6d: {  	s24 =	sadd.s32 $0xFFFFF800, s18;
	[sflag:s6] =	ssyncadd.s32 $0xFFFFC000  }
0x6e: {  	[hbm4b:s24+s4] =	stream.linear.scatter [tilespmem:s28], [sflag:$0xF], $0x4000, $0x38;
	[tilespmem:$0x1C4C0] =	vst v63  }
0x6f: {  	_ =	swait.ge [sflag:s7], $0x4000  }
0x70: {  	[sflag:s7] =	ssyncset.done $0x0  }
0x71: {  	s2 =	simm.s32 $0x380;
	[sflag:s7] =	ssyncadd.s32 $0xFFFFC000  }
0x72: {  	[tilespmem:s23], [sflag:$0x2] =	stream.indirect.gather [hbm4b:s1+s21], $0x80, s2, s21, $0xb8;
	[tilespmem:$0x1C4C0] =	vst v63  }
0x73: {  	_ =	swait.ge [sflag:s8], $0x4000  }
0x74: {  	[sflag:s8] =	ssyncset.done $0x0  }
0x75: {  	s29 =	simm.s32 $0x104C0;
	s22 =	simm.s32 $0x1A80;
	[sflag:s8] =	ssyncadd.s32 $0xFFFFC000  }
0x76: {  	[tilespmem:s29], [sflag:$0xA] =	stream.indirect.gather.add.f32 [spmem:s3], $0x80, s22, s21, $0xb8;
	[tilespmem:$0x1C4C0] =	vst v63  }
0x77: {  	_ =	swait.ge [sflag:s9], $0x4000  }
0x78: {  	[sflag:s9] =	ssyncset.done $0x0  }
0x79: {  	[sflag:s9] =	ssyncadd.s32 $0xFFFFC000  }
0x7a: {  	[hbm4b:s18+s4] =	stream.linear.scatter [tilespmem:s29], [sflag:$0x10], $0x4000, $0x38;
	[tilespmem:$0x1C4C0] =	vst v63  }
0x7b: {  	_ =	swait.ge [sflag:s10], $0x4000  }
0x7c: {  	[sflag:s10] =	ssyncset.done $0x0  }
0x7d: {  	s22 =	simm.s32 $0x400;
	[sflag:s10] =	ssyncadd.s32 $0xFFFFC000  }
0x7e: {  	[tilespmem:s28], [sflag:$0x3] =	stream.indirect.gather [hbm4b:s1+s21], $0x80, s22, s21, $0xb8;
	[tilespmem:$0x1C4C0] =	vst v63  }
0x7f: {  	_ =	swait.ge [sflag:s11], $0x4000  }
0x80: {  	[sflag:s11] =	ssyncset.done $0x0  }
0x81: {  	s2 =	simm.s32 $0x144C0;
	s22 =	simm.s32 $0x1B00;
	[sflag:s11] =	ssyncadd.s32 $0xFFFFC000  }
0x82: {  	[tilespmem:s2], [sflag:$0xB] =	stream.indirect.gather.add.f32 [spmem:s3], $0x80, s22, s21, $0xb8;
	[tilespmem:$0x1C4C0] =	vst v63  }
0x83: {  	_ =	swait.ge [sflag:s12], $0x4000  }
0x84: {  	[sflag:s12] =	ssyncset.done $0x0  }
0x85: {  	s22 =	sadd.s32 $0x800, s18;
	[sflag:s12] =	ssyncadd.s32 $0xFFFFC000  }
0x86: {  	[hbm4b:s22+s4] =	stream.linear.scatter [tilespmem:s2], [sflag:$0x11], $0x4000, $0x38;
	[tilespmem:$0x1C4C0] =	vst v63  }
0x87: {  	_ =	swait.ge [sflag:s13], $0x4000  }
0x88: {  	[sflag:s13] =	ssyncset.done $0x0  }
0x89: {  	s22 =	simm.s32 $0x480;
	[sflag:s13] =	ssyncadd.s32 $0xFFFFC000  }
0x8a: {  	[tilespmem:s29], [sflag:$0x4] =	stream.indirect.gather [hbm4b:s1+s21], $0x80, s22, s21, $0xb8;
	[tilespmem:$0x1C4C0] =	vst v63  }
0x8b: {  	_ =	swait.ge [sflag:s20], $0x4000  }
0x8c: {  	[sflag:s20] =	ssyncset.done $0x0  }
0x8d: {  	s22 =	simm.s32 $0x1B80;
	[sflag:s20] =	ssyncadd.s32 $0xFFFFC000  }
0x8e: {  	[tilespmem:s26], [sflag:$0xC] =	stream.indirect.gather.add.f32 [spmem:s3], $0x80, s22, s21, $0xb8;
	[tilespmem:$0x1C4C0] =	vst v63  }
0x8f: {  	_ =	swait.ge [sflag:s14], $0x4000  }
0x90: {  	[sflag:s14] =	ssyncset.done $0x0  }
0x91: {  	s22 =	sadd.s32 $0x1000, s18;
	[sflag:s14] =	ssyncadd.s32 $0xFFFFC000  }
0x92: {  	[hbm4b:s22+s4] =	stream.linear.scatter [tilespmem:s26], [sflag:$0x12], $0x4000, $0x38;
	[tilespmem:$0x1C4C0] =	vst v63  }
0x93: {  	_ =	swait.ge [sflag:s15], $0x4000  }
0x94: {  	[sflag:s15] =	ssyncset.done $0x0  }
0x95: {  	s22 =	simm.s32 $0x500;
	[sflag:s15] =	ssyncadd.s32 $0xFFFFC000  }
0x96: {  	[tilespmem:s2], [sflag:$0x5] =	stream.indirect.gather [hbm4b:s1+s21], $0x80, s22, s21, $0xb8;
	[tilespmem:$0x1C4C0] =	vst v63  }
0x97: {  	_ =	swait.ge [sflag:s31], $0x4000  }
0x98: {  	[sflag:s31] =	ssyncset.done $0x0  }
0x99: {  	s24 =	simm.s32 $0x7;
	s22 =	simm.s32 $0x1C00;
	[sflag:s31] =	ssyncadd.s32 $0xFFFFC000  }
0x9a: {  	[tilespmem:s25], [sflag:$0x7] =	stream.indirect.gather.add.f32 [spmem:s3], $0x80, s22, s21, $0xb8;
	[tilespmem:$0x1C4C0] =	vst v63  }
0x9b: {  	_ =	swait.ge [sflag:s24], $0x4000  }
0x9c: {  	[sflag:s24] =	ssyncset.done $0x0  }
0x9d: {  	s22 =	sadd.s32 $0x1800, s18;
	[sflag:s24] =	ssyncadd.s32 $0xFFFFC000  }
0x9e: {  	[hbm4b:s22+s4] =	stream.linear.scatter [tilespmem:s25], [sflag:$0xD], $0x4000, $0x38;
	[tilespmem:$0x1C4C0] =	vst v63  }
0x9f: {  	_ =	swait.ge [sflag:s16], $0x4000  }
0xa0: {  	[sflag:s16] =	ssyncset.done $0x0  }
0xa1: {  	s22 =	simm.s32 $0x580;
	[sflag:s16] =	ssyncadd.s32 $0xFFFFC000  }
0xa2: {  	[tilespmem:s26], [sflag:$0x6] =	stream.indirect.gather [hbm4b:s1+s21], $0x80, s22, s21, $0xb8;
	[tilespmem:$0x1C4C0] =	vst v63  }
0xa3: {  	_ =	swait.ge [sflag:s19], $0x4000  }
0xa4: {  	s17 =	simm.s32 $0xC00;
	[sflag:s19] =	ssyncset.done $0x0  }
0xa5: {  	s18 =	sadd.s32 $0x3000, s18;
	[sflag:s19] =	ssyncadd.s32 $0xFFFFC000;
	s19 =	simm.s32 $0x1C80  }
.LBB2_4:
0xa6: {  	[tilespmem:s23], [sflag:$0x8] =	stream.indirect.gather.add.f32 [spmem:s3], $0x80, s19, s21, $0xb8;
	[tilespmem:$0x1C4C0] =	vst v63  }
0xa7: {  	s19 =	smov.u32 s17  }
0xa8: {  	p0 =	sne.s32 s17, $0x4800;
	s17 =	sadd.s32 $0xC00, s17;
	_ =	swait.ge [sflag:s30], $0x4000  }
0xa9: {  	[sflag:s30] =	ssyncset.done $0x0  }
0xaa: {  	s22 =	sadd.s32 $0xFFFFF000, s18;
	[sflag:s30] =	ssyncadd.s32 $0xFFFFC000  }
0xab: {  	[hbm4b:s22+s4] =	stream.linear.scatter [tilespmem:s23], [sflag:$0xE], $0x4000, $0x38;
	[tilespmem:$0x1C4C0] =	vst v63  }
0xac: {  	_ =	swait.ge [sflag:s0], $0x4000  }
0xad: {  	s19 =	sshra.s32 s19, $0x2;
	[sflag:s0] =	ssyncset.done $0x0  }
0xae: {  	s22 =	sadd.s32 $0x300, s19;
	[sflag:s0] =	ssyncadd.s32 $0xFFFFC000  }
0xaf: {  	[tilespmem:s25], [sflag:$0x1] =	stream.indirect.gather [hbm4b:s1+s21], $0x80, s22, s21, $0xb8;
	[tilespmem:$0x1C4C0] =	vst v63  }
0xb0: {  	_ =	swait.ge [sflag:s5], $0x4000  }
0xb1: {  	[sflag:s5] =	ssyncset.done $0x0  }
0xb2: {  	s22 =	sadd.s32 $0x1A00, s19;
	[sflag:s5] =	ssyncadd.s32 $0xFFFFC000  }
0xb3: {  	[tilespmem:s28], [sflag:$0x9] =	stream.indirect.gather.add.f32 [spmem:s3], $0x80, s22, s21, $0xb8;
	[tilespmem:$0x1C4C0] =	vst v63  }
0xb4: {  	_ =	swait.ge [sflag:s6], $0x4000  }
0xb5: {  	[sflag:s6] =	ssyncset.done $0x0  }
0xb6: {  	s22 =	sadd.s32 $0xFFFFF800, s18;
	[sflag:s6] =	ssyncadd.s32 $0xFFFFC000  }
0xb7: {  	[hbm4b:s22+s4] =	stream.linear.scatter [tilespmem:s28], [sflag:$0xF], $0x4000, $0x38;
	[tilespmem:$0x1C4C0] =	vst v63  }
0xb8: {  	_ =	swait.ge [sflag:s7], $0x4000  }
0xb9: {  	[sflag:s7] =	ssyncset.done $0x0  }
0xba: {  	s22 =	sadd.s32 $0x380, s19;
	[sflag:s7] =	ssyncadd.s32 $0xFFFFC000  }
0xbb: {  	[tilespmem:s23], [sflag:$0x2] =	stream.indirect.gather [hbm4b:s1+s21], $0x80, s22, s21, $0xb8;
	[tilespmem:$0x1C4C0] =	vst v63  }
0xbc: {  	_ =	swait.ge [sflag:s8], $0x4000  }
0xbd: {  	[sflag:s8] =	ssyncset.done $0x0  }
0xbe: {  	s22 =	sadd.s32 $0x1A80, s19;
	[sflag:s8] =	ssyncadd.s32 $0xFFFFC000  }
0xbf: {  	[tilespmem:s29], [sflag:$0xA] =	stream.indirect.gather.add.f32 [spmem:s3], $0x80, s22, s21, $0xb8;
	[tilespmem:$0x1C4C0] =	vst v63  }
0xc0: {  	_ =	swait.ge [sflag:s9], $0x4000  }
0xc1: {  	[sflag:s9] =	ssyncset.done $0x0  }
0xc2: {  	[sflag:s9] =	ssyncadd.s32 $0xFFFFC000  }
0xc3: {  	[hbm4b:s18+s4] =	stream.linear.scatter [tilespmem:s29], [sflag:$0x10], $0x4000, $0x38;
	[tilespmem:$0x1C4C0] =	vst v63  }
0xc4: {  	_ =	swait.ge [sflag:s10], $0x4000  }
0xc5: {  	[sflag:s10] =	ssyncset.done $0x0  }
0xc6: {  	s22 =	sadd.s32 $0x400, s19;
	[sflag:s10] =	ssyncadd.s32 $0xFFFFC000  }
0xc7: {  	[tilespmem:s28], [sflag:$0x3] =	stream.indirect.gather [hbm4b:s1+s21], $0x80, s22, s21, $0xb8;
	[tilespmem:$0x1C4C0] =	vst v63  }
0xc8: {  	_ =	swait.ge [sflag:s11], $0x4000  }
0xc9: {  	[sflag:s11] =	ssyncset.done $0x0  }
0xca: {  	s22 =	sadd.s32 $0x1B00, s19;
	[sflag:s11] =	ssyncadd.s32 $0xFFFFC000  }
0xcb: {  	[tilespmem:s2], [sflag:$0xB] =	stream.indirect.gather.add.f32 [spmem:s3], $0x80, s22, s21, $0xb8;
	[tilespmem:$0x1C4C0] =	vst v63  }
0xcc: {  	_ =	swait.ge [sflag:s12], $0x4000  }
0xcd: {  	[sflag:s12] =	ssyncset.done $0x0  }
0xce: {  	s22 =	sadd.s32 $0x800, s18;
	[sflag:s12] =	ssyncadd.s32 $0xFFFFC000  }
0xcf: {  	[hbm4b:s22+s4] =	stream.linear.scatter [tilespmem:s2], [sflag:$0x11], $0x4000, $0x38;
	[tilespmem:$0x1C4C0] =	vst v63  }
0xd0: {  	_ =	swait.ge [sflag:s13], $0x4000  }
0xd1: {  	[sflag:s13] =	ssyncset.done $0x0  }
0xd2: {  	s22 =	sadd.s32 $0x480, s19;
	[sflag:s13] =	ssyncadd.s32 $0xFFFFC000  }
0xd3: {  	[tilespmem:s29], [sflag:$0x4] =	stream.indirect.gather [hbm4b:s1+s21], $0x80, s22, s21, $0xb8;
	[tilespmem:$0x1C4C0] =	vst v63  }
0xd4: {  	_ =	swait.ge [sflag:s20], $0x4000  }
0xd5: {  	[sflag:s20] =	ssyncset.done $0x0  }
0xd6: {  	s22 =	sadd.s32 $0x1B80, s19;
	[sflag:s20] =	ssyncadd.s32 $0xFFFFC000  }
0xd7: {  	[tilespmem:s26], [sflag:$0xC] =	stream.indirect.gather.add.f32 [spmem:s3], $0x80, s22, s21, $0xb8;
	[tilespmem:$0x1C4C0] =	vst v63  }
0xd8: {  	_ =	swait.ge [sflag:s14], $0x4000  }
0xd9: {  	[sflag:s14] =	ssyncset.done $0x0  }
0xda: {  	s22 =	sadd.s32 $0x1000, s18;
	[sflag:s14] =	ssyncadd.s32 $0xFFFFC000  }
0xdb: {  	[hbm4b:s22+s4] =	stream.linear.scatter [tilespmem:s26], [sflag:$0x12], $0x4000, $0x38;
	[tilespmem:$0x1C4C0] =	vst v63  }
0xdc: {  	_ =	swait.ge [sflag:s15], $0x4000  }
0xdd: {  	[sflag:s15] =	ssyncset.done $0x0  }
0xde: {  	s22 =	sadd.s32 $0x500, s19;
	[sflag:s15] =	ssyncadd.s32 $0xFFFFC000  }
0xdf: {  	[tilespmem:s2], [sflag:$0x5] =	stream.indirect.gather [hbm4b:s1+s21], $0x80, s22, s21, $0xb8;
	[tilespmem:$0x1C4C0] =	vst v63  }
0xe0: {  	_ =	swait.ge [sflag:s31], $0x4000  }
0xe1: {  	[sflag:s31] =	ssyncset.done $0x0  }
0xe2: {  	s22 =	sadd.s32 $0x1C00, s19;
	[sflag:s31] =	ssyncadd.s32 $0xFFFFC000  }
0xe3: {  	[tilespmem:s25], [sflag:$0x7] =	stream.indirect.gather.add.f32 [spmem:s3], $0x80, s22, s21, $0xb8;
	[tilespmem:$0x1C4C0] =	vst v63  }
0xe4: {  	_ =	swait.ge [sflag:s24], $0x4000  }
0xe5: {  	[sflag:s24] =	ssyncset.done $0x0  }
0xe6: {  	s22 =	sadd.s32 $0x1800, s18;
	[sflag:s24] =	ssyncadd.s32 $0xFFFFC000  }
0xe7: {  	[hbm4b:s22+s4] =	stream.linear.scatter [tilespmem:s25], [sflag:$0xD], $0x4000, $0x38;
	[tilespmem:$0x1C4C0] =	vst v63  }
0xe8: {  	_ =	swait.ge [sflag:s16], $0x4000  }
0xe9: {  	[sflag:s16] =	ssyncset.done $0x0  }
0xea: {  	s22 =	sadd.s32 $0x580, s19;
	[sflag:s16] =	ssyncadd.s32 $0xFFFFC000  }
0xeb: {  	[tilespmem:s26], [sflag:$0x6] =	stream.indirect.gather [hbm4b:s1+s21], $0x80, s22, s21, $0xb8;
	[tilespmem:$0x1C4C0] =	vst v63  }
.Ltmp1:
0xec: {  	_ = 	snop;
	(pc) =	sbr.rel @p0 .LBB2_4-.Ltmp1, $4  }
0xed: {  	s22 =	simm.s32 $0x2  }
0xee: {  	_ =	swait.ge [sflag:s22], $0x4000  }
0xef: {  	[sflag:s22] =	ssyncset.done $0x0  }
0xf0: {  	s18 =	sadd.s32 $0x3000, s18;
	s19 =	sadd.s32 $0x1C80, s19;
	[sflag:s22] =	ssyncadd.s32 $0xFFFFC000  }
0xf1: {  	[tilespmem:s23], [sflag:$0x8] =	stream.indirect.gather.add.f32 [spmem:s3], $0x80, s19, s21, $0xb8;
	[tilespmem:$0x1C4C0] =	vst v63  }
0xf2: {  	_ =	swait.ge [sflag:s30], $0x4000  }
0xf3: {  	[sflag:s30] =	ssyncset.done $0x0  }
0xf4: {  	s17 =	rddreg [dreg:$0x9];
	[sflag:s30] =	ssyncadd.s32 $0xFFFFC000  }
0xf5: {  	[hbm4b:s17+s4] =	stream.linear.scatter [tilespmem:s23], [sflag:$0xE], $0x4000, $0x38;
	[tilespmem:$0x1C4C0] =	vst v63  }
0xf6: {  	_ =	swait.ge [sflag:s0], $0x4000  }
0xf7: {  	[sflag:s0] =	ssyncset.done $0x0  }
0xf8: {  	s19 =	simm.s32 $0x1800;
	[sflag:s0] =	ssyncadd.s32 $0xFFFFC000  }
0xf9: {  	[tilespmem:s25], [sflag:$0x1] =	stream.indirect.gather [hbm4b:s1+s21], $0x80, s19, s21, $0xb8;
	[tilespmem:$0x1C4C0] =	vst v63  }
0xfa: {  	_ =	swait.ge [sflag:s5], $0x4000  }
0xfb: {  	[sflag:s5] =	ssyncset.done $0x0  }
0xfc: {  	s18 =	simm.s32 $0x2F00;
	[sflag:s5] =	ssyncadd.s32 $0xFFFFC000  }
0xfd: {  	[tilespmem:s28], [sflag:$0x9] =	stream.indirect.gather.add.f32 [spmem:s3], $0x80, s18, s21, $0xb8;
	[tilespmem:$0x1C4C0] =	vst v63  }
0xfe: {  	_ =	swait.ge [sflag:s6], $0x4000  }
0xff: {  	[sflag:s6] =	ssyncset.done $0x0  }
0x100: {  	s19 =	rddreg [dreg:$0xa];
	[sflag:s6] =	ssyncadd.s32 $0xFFFFC000  }
0x101: {  	[hbm4b:s19+s4] =	stream.linear.scatter [tilespmem:s28], [sflag:$0xF], $0x4000, $0x38;
	[tilespmem:$0x1C4C0] =	vst v63  }
0x102: {  	_ =	swait.ge [sflag:s7], $0x4000  }
0x103: {  	[sflag:s7] =	ssyncset.done $0x0  }
0x104: {  	s18 =	simm.s32 $0x1880;
	[sflag:s7] =	ssyncadd.s32 $0xFFFFC000  }
0x105: {  	[tilespmem:s23], [sflag:$0x2] =	stream.indirect.gather [hbm4b:s1+s21], $0x80, s18, s21, $0xb8;
	[tilespmem:$0x1C4C0] =	vst v63  }
0x106: {  	_ =	swait.ge [sflag:s8], $0x4000  }
0x107: {  	[sflag:s8] =	ssyncset.done $0x0  }
0x108: {  	s19 =	simm.s32 $0x2F80;
	[sflag:s8] =	ssyncadd.s32 $0xFFFFC000  }
0x109: {  	[tilespmem:s29], [sflag:$0xA] =	stream.indirect.gather.add.f32 [spmem:s3], $0x80, s19, s21, $0xb8;
	[tilespmem:$0x1C4C0] =	vst v63  }
0x10a: {  	_ =	swait.ge [sflag:s9], $0x4000  }
0x10b: {  	[sflag:s9] =	ssyncset.done $0x0  }
0x10c: {  	s18 =	rddreg [dreg:$0xb];
	[sflag:s9] =	ssyncadd.s32 $0xFFFFC000  }
0x10d: {  	[hbm4b:s18+s4] =	stream.linear.scatter [tilespmem:s29], [sflag:$0x10], $0x4000, $0x38;
	[tilespmem:$0x1C4C0] =	vst v63  }
0x10e: {  	_ =	swait.ge [sflag:s11], $0x4000  }
0x10f: {  	[sflag:s11] =	ssyncset.done $0x0  }
0x110: {  	s19 =	simm.s32 $0x3000;
	[sflag:s11] =	ssyncadd.s32 $0xFFFFC000  }
0x111: {  	[tilespmem:s2], [sflag:$0xB] =	stream.indirect.gather.add.f32 [spmem:s3], $0x80, s19, s21, $0xb8;
	[tilespmem:$0x1C4C0] =	vst v63  }
0x112: {  	_ =	swait.ge [sflag:s12], $0x4000  }
0x113: {  	[sflag:s12] =	ssyncset.done $0x0  }
0x114: {  	s18 =	rddreg [dreg:$0xc];
	[sflag:s12] =	ssyncadd.s32 $0xFFFFC000  }
0x115: {  	[hbm4b:s18+s4] =	stream.linear.scatter [tilespmem:s2], [sflag:$0x11], $0x4000, $0x38;
	[tilespmem:$0x1C4C0] =	vst v63  }
0x116: {  	_ =	swait.ge [sflag:s20], $0x4000  }
0x117: {  	[sflag:s20] =	ssyncset.done $0x0  }
0x118: {  	s19 =	simm.s32 $0x3080;
	[sflag:s20] =	ssyncadd.s32 $0xFFFFC000  }
0x119: {  	[tilespmem:s26], [sflag:$0xC] =	stream.indirect.gather.add.f32 [spmem:s3], $0x80, s19, s21, $0xb8;
	[tilespmem:$0x1C4C0] =	vst v63  }
0x11a: {  	_ =	swait.ge [sflag:s14], $0x4000  }
0x11b: {  	[sflag:s14] =	ssyncset.done $0x0  }
0x11c: {  	s2 =	rddreg [dreg:$0xd];
	[sflag:s14] =	ssyncadd.s32 $0xFFFFC000  }
0x11d: {  	[hbm4b:s2+s4] =	stream.linear.scatter [tilespmem:s26], [sflag:$0x12], $0x4000, $0x38;
	[tilespmem:$0x1C4C0] =	vst v63  }
0x11e: {  	_ =	swait.ge [sflag:s31], $0x4000  }
0x11f: {  	[sflag:s31] =	ssyncset.done $0x0  }
0x120: {  	s17 =	simm.s32 $0x3100;
	[sflag:s31] =	ssyncadd.s32 $0xFFFFC000  }
0x121: {  	[tilespmem:s25], [sflag:$0x7] =	stream.indirect.gather.add.f32 [spmem:s3], $0x80, s17, s21, $0xb8;
	[tilespmem:$0x1C4C0] =	vst v63  }
0x122: {  	_ =	swait.ge [sflag:s24], $0x4000  }
0x123: {  	[sflag:s24] =	ssyncset.done $0x0  }
0x124: {  	s18 =	rddreg [dreg:$0xe];
	[sflag:s24] =	ssyncadd.s32 $0xFFFFC000  }
0x125: {  	[hbm4b:s18+s4] =	stream.linear.scatter [tilespmem:s25], [sflag:$0xD], $0x4000, $0x38;
	[tilespmem:$0x1C4C0] =	vst v63  }
0x126: {  	_ =	swait.ge [sflag:s22], $0x4000  }
0x127: {  	[sflag:s22] =	ssyncset.done $0x0  }
0x128: {  	s19 =	simm.s32 $0x3180;
	[sflag:s22] =	ssyncadd.s32 $0xFFFFC000  }
0x129: {  	[tilespmem:s23], [sflag:$0x8] =	stream.indirect.gather.add.f32 [spmem:s3], $0x80, s19, s21, $0xb8;
	[tilespmem:$0x1C4C0] =	vst v63  }
0x12a: {  	_ =	swait.ge [sflag:s30], $0x4000  }
0x12b: {  	[sflag:s30] =	ssyncset.done $0x0  }
0x12c: {  	s22 =	rddreg [dreg:$0xf];
	[sflag:s30] =	ssyncadd.s32 $0xFFFFC000  }
0x12d: {  	[hbm4b:s22+s4] =	stream.linear.scatter [tilespmem:s23], [sflag:$0xE], $0x4000, $0x38;
	[tilespmem:$0x1C4C0] =	vst v63  }
0x12e: {  	_ =	swait.ge [sflag:s10], $0x4000  }
0x12f: {  	[sflag:s10] =	ssyncset.done $0x0  }
0x130: {  	[sflag:s10] =	ssyncadd.s32 $0xFFFFC000  }
0x131: {  	_ =	swait.ge [sflag:s13], $0x4000  }
0x132: {  	[sflag:s13] =	ssyncset.done $0x0  }
0x133: {  	[sflag:s13] =	ssyncadd.s32 $0xFFFFC000  }
0x134: {  	_ =	swait.ge [sflag:s15], $0x4000  }
0x135: {  	[sflag:s15] =	ssyncset.done $0x0  }
0x136: {  	[sflag:s15] =	ssyncadd.s32 $0xFFFFC000  }
0x137: {  	_ =	swait.ge [sflag:s16], $0x4000  }
0x138: {  	[sflag:s16] =	ssyncset.done $0x0  }
0x139: {  	[sflag:s16] =	ssyncadd.s32 $0xFFFFC000  }
0x13a: {  	_ =	swait.ge [sflag:s0], $0x4000  }
0x13b: {  	[sflag:s0] =	ssyncset.done $0x0  }
0x13c: {  	[sflag:s0] =	ssyncadd.s32 $0xFFFFC000  }
0x13d: {  	_ =	swait.ge [sflag:s7], $0x4000  }
0x13e: {  	s23 =	rddreg [dreg:$0x13]  }
0x13f: {  	s24 =	rddreg [dreg:$0x10];
	s22 =	sadd.s32 $0x1, s23  }
0x140: {  	p0 =	sne.s32 s22, s24  }
.Ltmp2:
0x141: {  	_ = 	snop;
	(pc) =	sbr.rel @p0 .LBB2_1-.Ltmp2, $4  }
0x142: {  	_ = 	snop  }
0x143: {  	s28 =	simm.s32 $0x1;
	s29 =	simm.s32 $0x1900;
	s2 =	simm.s32 $0x144C0  }
0x144: {  	s18 =	simm.s32 $0x84C0;
	s19 =	simm.s32 $0xC4C0;
	[sflag:s7] =	ssyncset.done $0x0  }
0x145: {  	[sflag:s7] =	ssyncadd.s32 $0xFFFFC000;
	s23 =	simm.s32 $0x104C0;
	s24 =	simm.s32 $0x7  }
0x146: {  	_ =	sfence.sel $0x180000  }
0x147: {  	[bflag:$0x0] =	sbarrier.arrive $0xFFFF  }
0x148: {  	_ =	strace $0x90000047  }
0x149: {  	s0 =	stileid.u32;
	[bflag:$0x2] =	sbarrier.arrive $0xFFFF  }
0x14a: {  	p0 =	sne.s32 s0, $0x0;
	s0 =	rddreg [dreg:$0x4]  }
0x14b: {  	s0 =	sadd.s32 @!p0 $0x100000, s0  }
0x14c: {  	[sflag:s0] =	ssyncadd.tile.s32 @!p0 $0x1;
	_ =	shalt  }
.Lfunc_end2:
_tile_overlayer_lowered:
.L_overlay_start_2:
0x14d: {  	(tag) =	ssettag $0x2  }
0x14e: {  	s0 =	rddreg [dreg:$0x0];
	s2 =	stileid.u32  }
0x14f: {  	s1 =	rddreg [dreg:$0x1];
	p0 =	sne.s32 s2, $0x0  }
0x150: {  	s3 =	rddreg [dreg:$0x2];
	[bflag:$0x3] =	sbarrier.arrive $0xFFFF;
	s2 =	simm.s32 @!p0 $0x1C13  }
0x151: {  	[timem:s3], [sflag:s2] =	dma.local @!p0 [hbm:s0], s1  }
0x152: {  	s0 =	simm.s32 @!p0 $0x13  }
0x153: {  	_ =	swait.ge @!p0 [sflag:s0], s1  }
0x154: {  	s1 =	ssub.s32 @!p0 $0x0, s1;
	[sflag:s0] =	ssyncset.done @!p0 $0x0  }
0x155: {  	[sflag:s0] =	ssyncadd.s32 @!p0 s1  }
0x156: {  	[bflag:$0x3] =	sbarrier.arrive $0xFFFF  }
0x157: {  	_ =	shalt  }

</sc_bundles>
